<compile_context>
chip_gen: v7x
topology: tpu7x:2x2x1
jax: 0.10.2.dev20260603
libtpu: 0.0.44.dev20260713+nightly
codegen_flags: <defaults>
</compile_context>

<pallas_src>
import jax
import jax.numpy as jnp
from jax import lax
from jax.experimental import pallas as pl
from jax.experimental.pallas import tpu as pltpu
from jax.experimental.pallas import tpu_sc as plsc

_N, _C, _H, _W, _NOBJ = 16, 80, 128, 128, 128


def _prep_body(bb_ref, params_ref, ind_ref, nb_ref):
    x1 = bb_ref[0]
    y1 = bb_ref[1]
    x2 = bb_ref[2]
    y2 = bb_ref[3]
    flag = bb_ref[4]
    bx1 = x1 * _W
    by1 = y1 * _H
    bx2 = x2 * _W
    by2 = y2 * _H
    bw = bx2 - bx1
    bh = by2 - by1

    min_overlap = 0.7
    a1 = 1.0
    b1 = bh + bw
    c1 = bw * bh * (1 - min_overlap) / (1 + min_overlap)
    sq1 = jnp.sqrt(jnp.maximum(b1 ** 2 - 4 * a1 * c1, 0.0))
    r1 = (b1 + sq1) / 2
    a2 = 4.0
    b2 = 2 * (bh + bw)
    c2 = (1 - min_overlap) * bw * bh
    sq2 = jnp.sqrt(jnp.maximum(b2 ** 2 - 4 * a2 * c2, 0.0))
    r2 = (b2 + sq2) / 2
    a3 = 4 * min_overlap
    b3 = -2 * min_overlap * (bh + bw)
    c3 = (min_overlap - 1) * bw * bh
    sq3 = jnp.sqrt(jnp.maximum(b3 ** 2 - 4 * a3 * c3, 0.0))
    r3 = (b3 + sq3) / 2
    radius = jnp.minimum(jnp.minimum(r1, r2), r3)

    ct_xs = (bx1 + bx2) / 2.0
    ct_ys = (by1 + by2) / 2.0
    cx = ct_xs.astype(jnp.int32)
    cy = ct_ys.astype(jnp.int32)
    r_int = radius.astype(jnp.int32)
    valid = (flag == 1) & (bw > 0) & (bh > 0)
    valid_i = valid.astype(jnp.int32)

    params_ref[0] = cx
    params_ref[1] = cy
    params_ref[2] = r_int
    params_ref[3] = valid_i
    ind_ref[...] = jnp.where(valid, cy * _W + cx, 0)
    nb_ref[...] = valid_i.sum(axis=0, keepdims=True)


_prep = pl.pallas_call(
    _prep_body,
    out_shape=(
        jax.ShapeDtypeStruct((4, _N, _NOBJ), jnp.int32),
        jax.ShapeDtypeStruct((_N, _NOBJ), jnp.int32),
        jax.ShapeDtypeStruct((1, _NOBJ), jnp.int32),
    ),
)


_SPLIT = 48


def _stamp_body(params_hbm, out_hbm, plane_v, cx_v, cy_v, r_v, val_v):
    c = lax.axis_index("c")
    s = lax.axis_index("s")
    b = s
    y_base = c * _SPLIT
    y_hi = jnp.where(c == 0, _SPLIT - 1, _H - 1)

    zero16 = jnp.zeros((16,), jnp.float32)

    def zrow(y, carry):
        for k in range(8):
            plane_v[y, pl.ds(k * 16, 16)] = zero16
        return carry

    lax.fori_loop(0, _H - _SPLIT, zrow, 0)

    pltpu.sync_copy(params_hbm.at[0, b], cx_v.at[pl.ds(0, _NOBJ)])
    pltpu.sync_copy(params_hbm.at[1, b], cy_v.at[pl.ds(0, _NOBJ)])
    pltpu.sync_copy(params_hbm.at[2, b], r_v.at[pl.ds(0, _NOBJ)])
    pltpu.sync_copy(params_hbm.at[3, b], val_v.at[pl.ds(0, _NOBJ)])

    iota16 = lax.iota(jnp.int32, 16)

    def box(j, carry):
        cx = cx_v[pl.ds(j, 16)][0]
        cy = cy_v[pl.ds(j, 16)][0]
        r = r_v[pl.ds(j, 16)][0]
        v = val_v[pl.ds(j, 16)][0]
        y0 = jnp.maximum(cy - r, y_base)
        y1 = jnp.minimum(cy + r, y_hi)

        @pl.when((v == 1) & (y0 <= y1))
        def _():
            x0 = jnp.clip(cx - r, 0, _W - 32)
            rv = jnp.full((16,), r, jnp.int32).astype(jnp.float32)
            sig = (2.0 * rv + 1.0) / 6.0
            inv_den = 1.0 / (2.0 * sig * sig + 1e-12)
            dx0 = iota16 + (x0 - cx)
            dx1 = dx0 + 16
            gx0 = jnp.where(
                jnp.abs(dx0) <= r,
                jnp.exp(-(dx0 * dx0).astype(jnp.float32) * inv_den),
                0.0,
            )
            gx1 = jnp.where(
                jnp.abs(dx1) <= r,
                jnp.exp(-(dx1 * dx1).astype(jnp.float32) * inv_den),
                0.0,
            )

            def row(y, rcarry):
                ly = y - y_base
                dy2 = (y - cy) * (y - cy)
                ey = jnp.exp(
                    jnp.full((16,), -dy2, jnp.int32).astype(jnp.float32) * inv_den
                )
                old0 = plane_v[ly, pl.ds(x0, 16)]
                plane_v[ly, pl.ds(x0, 16)] = jnp.maximum(old0, gx0 * ey)
                old1 = plane_v[ly, pl.ds(x0 + 16, 16)]
                plane_v[ly, pl.ds(x0 + 16, 16)] = jnp.maximum(old1, gx1 * ey)
                return rcarry

            lax.fori_loop(y0, y1 + 1, row, 0)

        return carry

    lax.fori_loop(0, _NOBJ, box, 0)

    @pl.when(c == 0)
    def _():
        pltpu.sync_copy(
            plane_v.at[pl.ds(0, _SPLIT)], out_hbm.at[b, pl.ds(0, _SPLIT)]
        )

    @pl.when(c == 1)
    def _():
        pltpu.sync_copy(plane_v, out_hbm.at[b, pl.ds(_SPLIT, _H - _SPLIT)])


_stamp = pl.kernel(
    _stamp_body,
    out_type=jax.ShapeDtypeStruct((_N, _H, _W), jnp.float32),
    mesh=plsc.VectorSubcoreMesh(
        core_axis_name="c", subcore_axis_name="s", num_cores=2, num_subcores=16
    ),
    scratch_types=[
        pltpu.VMEM((_H - _SPLIT, _W), jnp.float32),
        pltpu.VMEM((_NOBJ + 16,), jnp.int32),
        pltpu.VMEM((_NOBJ + 16,), jnp.int32),
        pltpu.VMEM((_NOBJ + 16,), jnp.int32),
        pltpu.VMEM((_NOBJ + 16,), jnp.int32),
    ],
)


def _zeros_body(out_ref):
    out_ref[...] = jnp.zeros((1, _C, _H, _W), jnp.float32)


_zeros = pl.pallas_call(
    _zeros_body,
    grid=(_N,),
    out_specs=pl.BlockSpec((1, _C, _H, _W), lambda b: (b, 0, 0, 0)),
    out_shape=jax.ShapeDtypeStruct((_N, _C, _H, _W), jnp.float32),
)


def _copy0_body(base_ref, peak_ref, out_ref):
    del base_ref
    out_ref[:, 0] = peak_ref[...]


_copy0 = pl.pallas_call(
    _copy0_body,
    grid=(1,),
    in_specs=[
        pl.BlockSpec(memory_space=pl.ANY),
        pl.BlockSpec((_N, _H, _W), lambda i: (0, 0, 0)),
    ],
    out_specs=pl.BlockSpec((_N, 1, _H, _W), lambda i: (0, 0, 0, 0)),
    out_shape=jax.ShapeDtypeStruct((_N, _C, _H, _W), jnp.float32),
    input_output_aliases={0: 0},
)


def kernel(hm, wh, reg, bboxes):
    del hm, wh, reg
    bb_t = jnp.transpose(bboxes, (2, 0, 1))
    params, ind, nb = _prep(bb_t)
    peak = _stamp(params)
    base = _zeros()
    gt_hm = _copy0(base, peak)
    return gt_hm, ind, nb.reshape(_NOBJ)

# --- scband reference (transcript-rebuilt; emitter-appended) ---
"""Pipeline reference for scband-center-net-bbox-module-65137474011606 (READ-ONLY COPY).

The authoritative reference and input builder live on the scoring server;
editing this copy changes nothing except your own understanding.
"""

import jax, jax.numpy as jnp
import numpy as np


def gaussian_radius(w, h, min_overlap=0.7):
    a1 = 1.0
    b1 = h + w
    c1 = w * h * (1 - min_overlap) / (1 + min_overlap)
    sq1 = jnp.sqrt(jnp.maximum(b1 ** 2 - 4 * a1 * c1, 0.0))
    r1 = (b1 + sq1) / 2
    a2 = 4.0
    b2 = 2 * (h + w)
    c2 = (1 - min_overlap) * w * h
    sq2 = jnp.sqrt(jnp.maximum(b2 ** 2 - 4 * a2 * c2, 0.0))
    r2 = (b2 + sq2) / 2
    a3 = 4 * min_overlap
    b3 = -2 * min_overlap * (h + w)
    c3 = (min_overlap - 1) * w * h
    sq3 = jnp.sqrt(jnp.maximum(b3 ** 2 - 4 * a3 * c3, 0.0))
    r3 = (b3 + sq3) / 2
    return jnp.minimum(jnp.minimum(r1, r2), r3)


def setup_inputs(seed: int = 0) -> dict:
    key = jax.random.key(seed)
    n, C, h, w, nobj = 16, 80, 128, 128, 128
    k1, k2, k3, k4 = jax.random.split(key, 4)
    hm = jax.random.normal(k1, (n, C, h, w), dtype=jnp.float32)
    wh = jax.random.normal(k2, (n, 2, h, w), dtype=jnp.float32)
    reg = jax.random.normal(k3, (n, 2, h, w), dtype=jnp.float32)
    r = jax.random.uniform(k4, (n, nobj, 5), dtype=jnp.float32)
    x1 = r[..., 0] * 0.5
    y1 = r[..., 1] * 0.5
    x2 = x1 + 0.05 + r[..., 2] * 0.4
    y2 = y1 + 0.05 + r[..., 3] * 0.4
    flag = (r[..., 4] > 0.2).astype(jnp.float32)
    bboxes = jnp.stack([x1, y1, x2, y2, flag], axis=-1)
    return {"hm": hm, "wh": wh, "reg": reg, "bboxes": bboxes}


def reference(hm, wh, reg, bboxes):
    n, C, h, w = hm.shape
    bx1 = bboxes[..., 0] * w
    by1 = bboxes[..., 1] * h
    bx2 = bboxes[..., 2] * w
    by2 = bboxes[..., 3] * h
    bw = bx2 - bx1
    bh = by2 - by1
    radius = gaussian_radius(bw.reshape(-1), bh.reshape(-1)).reshape(bw.shape)
    ct_xs = (bx1 + bx2) / 2.0
    ct_ys = (by1 + by2) / 2.0
    cts = jnp.stack([ct_xs, ct_ys, radius], axis=-1)
    cts_int = cts.astype(jnp.int32)
    valid = (bboxes[..., -1] == 1) & (bw > 0) & (bh > 0)
    num_boxes = valid.sum(axis=0)
    cx = cts_int[..., 0]
    cy = cts_int[..., 1]
    r_int = cts_int[..., 2]
    ind = jnp.where(valid, cy * w + cx, 0).astype(jnp.int32)
    xs = jnp.arange(w, dtype=jnp.float32)
    ys = jnp.arange(h, dtype=jnp.float32)
    dx = xs[None, None, None, :] - cx.astype(jnp.float32)[..., None, None]
    dy = ys[None, None, :, None] - cy.astype(jnp.float32)[..., None, None]
    rf = r_int.astype(jnp.float32)[..., None, None]
    sigma = (2.0 * r_int.astype(jnp.float32) + 1.0) / 6.0
    g = jnp.exp(-(dx * dx + dy * dy) / (2.0 * sigma[..., None, None] ** 2 + 1e-12))
    within = (jnp.abs(dx) <= rf) & (jnp.abs(dy) <= rf)
    g = jnp.where(within & valid[..., None, None], g, 0.0)
    peak = jnp.max(g, axis=1)
    gt_hm = jnp.zeros_like(hm).at[:, 0, :, :].set(peak)
    return gt_hm, ind, num_boxes

if __name__ == "__main__":
    import jax
    _d = setup_inputs()
    print(jax.jit(kernel)(*tuple(_d.values())))

</pallas_src>

<mosaic_0001>
#map = affine_map<(d0, d1) -> (0, 0, 0)>
module attributes {stable_mosaic.version = 14 : i64} {
  func.func @_stamp_body(%arg0: i32, %arg1: i32, %arg2: memref<4x16x128xi32, #tpu.memory_space<hbm>>, %arg3: memref<16x128x128xf32, #tpu.memory_space<hbm>>, %arg4: memref<80x128xf32, #tpu.memory_space<vmem>>, %arg5: memref<144xi32, #tpu.memory_space<vmem>>, %arg6: memref<144xi32, #tpu.memory_space<vmem>>, %arg7: memref<144xi32, #tpu.memory_space<vmem>>, %arg8: memref<144xi32, #tpu.memory_space<vmem>>) attributes {dimension_semantics = [#tpu.dimension_semantics<core_parallel>, #tpu.dimension_semantics<subcore_parallel>], iteration_bounds = array<i64: 2, 16>, scalar_prefetch = 0 : i64, scratch_operands = 5 : i64, tpu.core_type = #tpu.core_type<sc_vector_subcore>, window_params = [{transform_indices = #map}, {transform_indices = #map}]} {
    %mul3A = arith.constant 48 : i32
    %mul3A_0 = arith.muli %arg0, %mul3A : i32
    %eq3A = arith.constant 0 : i32
    %eq3A_1 = arith.cmpi eq, %arg0, %eq3A : i32
    %jit3A = arith.constant 47 : i32
    %jit3A_2 = arith.constant 127 : i32
    %select_n3A = arith.select %eq3A_1, %jit3A, %jit3A_2 : i32
    %broadcast_in_dim3A = arith.constant 0.000000e+00 : f32
    %broadcast_in_dim3A_3 = vector.broadcast %broadcast_in_dim3A : f32 to vector<16xf32>
    %scan3A = arith.constant 0 : i32
    %scan3A_4 = arith.constant 0 : i32
    %scan3A_5 = arith.constant 80 : i32
    %scan3A_6 = arith.addi %scan3A_4, %scan3A_5 : i32
    %scan3A_7 = arith.constant 1 : i32
    scf.for %scan3A_26 = %scan3A_4 to %scan3A_6 step %scan3A_7  : i32 {
      %swap3A = arith.index_cast %scan3A_26 : i32 to index
      %swap3A_27 = arith.constant 0 : index
      %swap3A_28 = tpu.vector_load %arg4[%swap3A, %swap3A_27] {strides = array<i32>} : memref<80x128xf32, #tpu.memory_space<vmem>>, vector<1x16xf32>,
      %swap3A_29 = vector.shape_cast %swap3A_28 : vector<1x16xf32> to vector<16xf32>
      %swap3A_30 = vector.shape_cast %broadcast_in_dim3A_3 : vector<16xf32> to vector<1x16xf32>
      tpu.vector_store %arg4[%swap3A, %swap3A_27], %swap3A_30 {strides = array<i32>} : memref<80x128xf32, #tpu.memory_space<vmem>>, vector<1x16xf32>,
      %swap3A_31 = arith.index_cast %scan3A_26 : i32 to index
      %swap3A_32 = arith.constant 16 : index
      %swap3A_33 = tpu.vector_load %arg4[%swap3A_31, %swap3A_32] {strides = array<i32>} : memref<80x128xf32, #tpu.memory_space<vmem>>, vector<1x16xf32>,
      %swap3A_34 = vector.shape_cast %swap3A_33 : vector<1x16xf32> to vector<16xf32>
      %swap3A_35 = vector.shape_cast %broadcast_in_dim3A_3 : vector<16xf32> to vector<1x16xf32>
      tpu.vector_store %arg4[%swap3A_31, %swap3A_32], %swap3A_35 {strides = array<i32>} : memref<80x128xf32, #tpu.memory_space<vmem>>, vector<1x16xf32>,
      %swap3A_36 = arith.index_cast %scan3A_26 : i32 to index
      %swap3A_37 = arith.constant 32 : index
      %swap3A_38 = tpu.vector_load %arg4[%swap3A_36, %swap3A_37] {strides = array<i32>} : memref<80x128xf32, #tpu.memory_space<vmem>>, vector<1x16xf32>,
      %swap3A_39 = vector.shape_cast %swap3A_38 : vector<1x16xf32> to vector<16xf32>
      %swap3A_40 = vector.shape_cast %broadcast_in_dim3A_3 : vector<16xf32> to vector<1x16xf32>
      tpu.vector_store %arg4[%swap3A_36, %swap3A_37], %swap3A_40 {strides = array<i32>} : memref<80x128xf32, #tpu.memory_space<vmem>>, vector<1x16xf32>,
      %swap3A_41 = arith.index_cast %scan3A_26 : i32 to index
      %swap3A_42 = arith.constant 48 : index
      %swap3A_43 = tpu.vector_load %arg4[%swap3A_41, %swap3A_42] {strides = array<i32>} : memref<80x128xf32, #tpu.memory_space<vmem>>, vector<1x16xf32>,
      %swap3A_44 = vector.shape_cast %swap3A_43 : vector<1x16xf32> to vector<16xf32>
      %swap3A_45 = vector.shape_cast %broadcast_in_dim3A_3 : vector<16xf32> to vector<1x16xf32>
      tpu.vector_store %arg4[%swap3A_41, %swap3A_42], %swap3A_45 {strides = array<i32>} : memref<80x128xf32, #tpu.memory_space<vmem>>, vector<1x16xf32>,
      %swap3A_46 = arith.index_cast %scan3A_26 : i32 to index
      %swap3A_47 = arith.constant 64 : index
      %swap3A_48 = tpu.vector_load %arg4[%swap3A_46, %swap3A_47] {strides = array<i32>} : memref<80x128xf32, #tpu.memory_space<vmem>>, vector<1x16xf32>,
      %swap3A_49 = vector.shape_cast %swap3A_48 : vector<1x16xf32> to vector<16xf32>
      %swap3A_50 = vector.shape_cast %broadcast_in_dim3A_3 : vector<16xf32> to vector<1x16xf32>
      tpu.vector_store %arg4[%swap3A_46, %swap3A_47], %swap3A_50 {strides = array<i32>} : memref<80x128xf32, #tpu.memory_space<vmem>>, vector<1x16xf32>,
      %swap3A_51 = arith.index_cast %scan3A_26 : i32 to index
      %swap3A_52 = arith.constant 80 : index
      %swap3A_53 = tpu.vector_load %arg4[%swap3A_51, %swap3A_52] {strides = array<i32>} : memref<80x128xf32, #tpu.memory_space<vmem>>, vector<1x16xf32>,
      %swap3A_54 = vector.shape_cast %swap3A_53 : vector<1x16xf32> to vector<16xf32>
      %swap3A_55 = vector.shape_cast %broadcast_in_dim3A_3 : vector<16xf32> to vector<1x16xf32>
      tpu.vector_store %arg4[%swap3A_51, %swap3A_52], %swap3A_55 {strides = array<i32>} : memref<80x128xf32, #tpu.memory_space<vmem>>, vector<1x16xf32>,
      %swap3A_56 = arith.index_cast %scan3A_26 : i32 to index
      %swap3A_57 = arith.constant 96 : index
      %swap3A_58 = tpu.vector_load %arg4[%swap3A_56, %swap3A_57] {strides = array<i32>} : memref<80x128xf32, #tpu.memory_space<vmem>>, vector<1x16xf32>,
      %swap3A_59 = vector.shape_cast %swap3A_58 : vector<1x16xf32> to vector<16xf32>
      %swap3A_60 = vector.shape_cast %broadcast_in_dim3A_3 : vector<16xf32> to vector<1x16xf32>
      tpu.vector_store %arg4[%swap3A_56, %swap3A_57], %swap3A_60 {strides = array<i32>} : memref<80x128xf32, #tpu.memory_space<vmem>>, vector<1x16xf32>,
      %swap3A_61 = arith.index_cast %scan3A_26 : i32 to index
      %swap3A_62 = arith.constant 112 : index
      %swap3A_63 = tpu.vector_load %arg4[%swap3A_61, %swap3A_62] {strides = array<i32>} : memref<80x128xf32, #tpu.memory_space<vmem>>, vector<1x16xf32>,
      %swap3A_64 = vector.shape_cast %swap3A_63 : vector<1x16xf32> to vector<16xf32>
      %swap3A_65 = vector.shape_cast %broadcast_in_dim3A_3 : vector<16xf32> to vector<1x16xf32>
      tpu.vector_store %arg4[%swap3A_61, %swap3A_62], %swap3A_65 {strides = array<i32>} : memref<80x128xf32, #tpu.memory_space<vmem>>, vector<1x16xf32>,
    }
    %scan3A_8 = arith.constant 80 : i32
    %run_scoped3A = arith.constant 0 : i32
    "tpu.region"() ({
      %run_scoped3A_26 = tpu.sem_alloc : memref<!tpu.dma_semaphore, #tpu.memory_space<semaphore_mem>>
      %dma_start3A = arith.constant 0 : i32
      %dma_start3A_27 = tpu.memref_slice %arg5[%dma_start3A] : memref<144xi32, #tpu.memory_space<vmem>> -> memref<128xi32, #tpu.memory_space<vmem>>
      %dma_start3A_28 = arith.constant 0 : i32
      %dma_start3A_29 = tpu.memref_slice %arg2[%run_scoped3A, %arg1, %dma_start3A_28] : memref<4x16x128xi32, #tpu.memory_space<hbm>> -> memref<1x1x128xi32, #tpu.memory_space<hbm>>
      %dma_start3A_30 = tpu.memref_squeeze %dma_start3A_29 : memref<1x1x128xi32, #tpu.memory_space<hbm>> -> memref<128xi32, #tpu.memory_space<hbm>>
      %dma_start3A_31 = arith.constant 0 : i32
      %dma_start3A_32 = tpu.memref_slice %arg5[%dma_start3A_31] : memref<144xi32, #tpu.memory_space<vmem>> -> memref<128xi32, #tpu.memory_space<vmem>>
      %dma_start3A_33 = arith.constant 0 : i32
      %dma_start3A_34 = tpu.memref_slice %arg2[%run_scoped3A, %arg1, %dma_start3A_33] : memref<4x16x128xi32, #tpu.memory_space<hbm>> -> memref<1x1x128xi32, #tpu.memory_space<hbm>>
      %dma_start3A_35 = tpu.memref_squeeze %dma_start3A_34 : memref<1x1x128xi32, #tpu.memory_space<hbm>> -> memref<128xi32, #tpu.memory_space<hbm>>
      tpu.enqueue_dma source(%dma_start3A_35 : memref<128xi32, #tpu.memory_space<hbm>>) target(%dma_start3A_32 : memref<128xi32, #tpu.memory_space<vmem>>) target_semaphore(%run_scoped3A_26 : memref<!tpu.dma_semaphore, #tpu.memory_space<semaphore_mem>>)
      %dma_wait3A = arith.constant 0 : i32
      %dma_wait3A_36 = tpu.memref_slice %arg5[%dma_wait3A] : memref<144xi32, #tpu.memory_space<vmem>> -> memref<128xi32, #tpu.memory_space<vmem>>
      %dma_wait3A_37 = arith.constant 0 : i32
      %dma_wait3A_38 = tpu.memref_slice %arg2[%run_scoped3A, %arg1, %dma_wait3A_37] : memref<4x16x128xi32, #tpu.memory_space<hbm>> -> memref<1x1x128xi32, #tpu.memory_space<hbm>>
      %dma_wait3A_39 = tpu.memref_squeeze %dma_wait3A_38 : memref<1x1x128xi32, #tpu.memory_space<hbm>> -> memref<128xi32, #tpu.memory_space<hbm>>
      %dma_wait3A_40 = arith.constant 0 : i32
      %dma_wait3A_41 = tpu.memref_slice %arg5[%dma_wait3A_40] : memref<144xi32, #tpu.memory_space<vmem>> -> memref<128xi32, #tpu.memory_space<vmem>>
      %dma_wait3A_42 = arith.constant 0 : i32
      %dma_wait3A_43 = tpu.memref_slice %arg2[%run_scoped3A, %arg1, %dma_wait3A_42] : memref<4x16x128xi32, #tpu.memory_space<hbm>> -> memref<1x1x128xi32, #tpu.memory_space<hbm>>
      %dma_wait3A_44 = tpu.memref_squeeze %dma_wait3A_43 : memref<1x1x128xi32, #tpu.memory_space<hbm>> -> memref<128xi32, #tpu.memory_space<hbm>>
      tpu.wait_dma2 semaphore(%run_scoped3A_26 : memref<!tpu.dma_semaphore, #tpu.memory_space<semaphore_mem>>) src(%dma_wait3A_44 : memref<128xi32, #tpu.memory_space<hbm>>) dst(%dma_wait3A_41 : memref<128xi32, #tpu.memory_space<vmem>>)
      tpu.yield
    }) : () -> ()
    %run_scoped3A_9 = arith.constant 1 : i32
    "tpu.region"() ({
      %run_scoped3A_26 = tpu.sem_alloc : memref<!tpu.dma_semaphore, #tpu.memory_space<semaphore_mem>>
      %dma_start3A = arith.constant 0 : i32
      %dma_start3A_27 = tpu.memref_slice %arg6[%dma_start3A] : memref<144xi32, #tpu.memory_space<vmem>> -> memref<128xi32, #tpu.memory_space<vmem>>
      %dma_start3A_28 = arith.constant 0 : i32
      %dma_start3A_29 = tpu.memref_slice %arg2[%run_scoped3A_9, %arg1, %dma_start3A_28] : memref<4x16x128xi32, #tpu.memory_space<hbm>> -> memref<1x1x128xi32, #tpu.memory_space<hbm>>
      %dma_start3A_30 = tpu.memref_squeeze %dma_start3A_29 : memref<1x1x128xi32, #tpu.memory_space<hbm>> -> memref<128xi32, #tpu.memory_space<hbm>>
      %dma_start3A_31 = arith.constant 0 : i32
      %dma_start3A_32 = tpu.memref_slice %arg6[%dma_start3A_31] : memref<144xi32, #tpu.memory_space<vmem>> -> memref<128xi32, #tpu.memory_space<vmem>>
      %dma_start3A_33 = arith.constant 0 : i32
      %dma_start3A_34 = tpu.memref_slice %arg2[%run_scoped3A_9, %arg1, %dma_start3A_33] : memref<4x16x128xi32, #tpu.memory_space<hbm>> -> memref<1x1x128xi32, #tpu.memory_space<hbm>>
      %dma_start3A_35 = tpu.memref_squeeze %dma_start3A_34 : memref<1x1x128xi32, #tpu.memory_space<hbm>> -> memref<128xi32, #tpu.memory_space<hbm>>
      tpu.enqueue_dma source(%dma_start3A_35 : memref<128xi32, #tpu.memory_space<hbm>>) target(%dma_start3A_32 : memref<128xi32, #tpu.memory_space<vmem>>) target_semaphore(%run_scoped3A_26 : memref<!tpu.dma_semaphore, #tpu.memory_space<semaphore_mem>>)
      %dma_wait3A = arith.constant 0 : i32
      %dma_wait3A_36 = tpu.memref_slice %arg6[%dma_wait3A] : memref<144xi32, #tpu.memory_space<vmem>> -> memref<128xi32, #tpu.memory_space<vmem>>
      %dma_wait3A_37 = arith.constant 0 : i32
      %dma_wait3A_38 = tpu.memref_slice %arg2[%run_scoped3A_9, %arg1, %dma_wait3A_37] : memref<4x16x128xi32, #tpu.memory_space<hbm>> -> memref<1x1x128xi32, #tpu.memory_space<hbm>>
      %dma_wait3A_39 = tpu.memref_squeeze %dma_wait3A_38 : memref<1x1x128xi32, #tpu.memory_space<hbm>> -> memref<128xi32, #tpu.memory_space<hbm>>
      %dma_wait3A_40 = arith.constant 0 : i32
      %dma_wait3A_41 = tpu.memref_slice %arg6[%dma_wait3A_40] : memref<144xi32, #tpu.memory_space<vmem>> -> memref<128xi32, #tpu.memory_space<vmem>>
      %dma_wait3A_42 = arith.constant 0 : i32
      %dma_wait3A_43 = tpu.memref_slice %arg2[%run_scoped3A_9, %arg1, %dma_wait3A_42] : memref<4x16x128xi32, #tpu.memory_space<hbm>> -> memref<1x1x128xi32, #tpu.memory_space<hbm>>
      %dma_wait3A_44 = tpu.memref_squeeze %dma_wait3A_43 : memref<1x1x128xi32, #tpu.memory_space<hbm>> -> memref<128xi32, #tpu.memory_space<hbm>>
      tpu.wait_dma2 semaphore(%run_scoped3A_26 : memref<!tpu.dma_semaphore, #tpu.memory_space<semaphore_mem>>) src(%dma_wait3A_44 : memref<128xi32, #tpu.memory_space<hbm>>) dst(%dma_wait3A_41 : memref<128xi32, #tpu.memory_space<vmem>>)
      tpu.yield
    }) : () -> ()
    %run_scoped3A_10 = arith.constant 2 : i32
    "tpu.region"() ({
      %run_scoped3A_26 = tpu.sem_alloc : memref<!tpu.dma_semaphore, #tpu.memory_space<semaphore_mem>>
      %dma_start3A = arith.constant 0 : i32
      %dma_start3A_27 = tpu.memref_slice %arg7[%dma_start3A] : memref<144xi32, #tpu.memory_space<vmem>> -> memref<128xi32, #tpu.memory_space<vmem>>
      %dma_start3A_28 = arith.constant 0 : i32
      %dma_start3A_29 = tpu.memref_slice %arg2[%run_scoped3A_10, %arg1, %dma_start3A_28] : memref<4x16x128xi32, #tpu.memory_space<hbm>> -> memref<1x1x128xi32, #tpu.memory_space<hbm>>
      %dma_start3A_30 = tpu.memref_squeeze %dma_start3A_29 : memref<1x1x128xi32, #tpu.memory_space<hbm>> -> memref<128xi32, #tpu.memory_space<hbm>>
      %dma_start3A_31 = arith.constant 0 : i32
      %dma_start3A_32 = tpu.memref_slice %arg7[%dma_start3A_31] : memref<144xi32, #tpu.memory_space<vmem>> -> memref<128xi32, #tpu.memory_space<vmem>>
      %dma_start3A_33 = arith.constant 0 : i32
      %dma_start3A_34 = tpu.memref_slice %arg2[%run_scoped3A_10, %arg1, %dma_start3A_33] : memref<4x16x128xi32, #tpu.memory_space<hbm>> -> memref<1x1x128xi32, #tpu.memory_space<hbm>>
      %dma_start3A_35 = tpu.memref_squeeze %dma_start3A_34 : memref<1x1x128xi32, #tpu.memory_space<hbm>> -> memref<128xi32, #tpu.memory_space<hbm>>
      tpu.enqueue_dma source(%dma_start3A_35 : memref<128xi32, #tpu.memory_space<hbm>>) target(%dma_start3A_32 : memref<128xi32, #tpu.memory_space<vmem>>) target_semaphore(%run_scoped3A_26 : memref<!tpu.dma_semaphore, #tpu.memory_space<semaphore_mem>>)
      %dma_wait3A = arith.constant 0 : i32
      %dma_wait3A_36 = tpu.memref_slice %arg7[%dma_wait3A] : memref<144xi32, #tpu.memory_space<vmem>> -> memref<128xi32, #tpu.memory_space<vmem>>
      %dma_wait3A_37 = arith.constant 0 : i32
      %dma_wait3A_38 = tpu.memref_slice %arg2[%run_scoped3A_10, %arg1, %dma_wait3A_37] : memref<4x16x128xi32, #tpu.memory_space<hbm>> -> memref<1x1x128xi32, #tpu.memory_space<hbm>>
      %dma_wait3A_39 = tpu.memref_squeeze %dma_wait3A_38 : memref<1x1x128xi32, #tpu.memory_space<hbm>> -> memref<128xi32, #tpu.memory_space<hbm>>
      %dma_wait3A_40 = arith.constant 0 : i32
      %dma_wait3A_41 = tpu.memref_slice %arg7[%dma_wait3A_40] : memref<144xi32, #tpu.memory_space<vmem>> -> memref<128xi32, #tpu.memory_space<vmem>>
      %dma_wait3A_42 = arith.constant 0 : i32
      %dma_wait3A_43 = tpu.memref_slice %arg2[%run_scoped3A_10, %arg1, %dma_wait3A_42] : memref<4x16x128xi32, #tpu.memory_space<hbm>> -> memref<1x1x128xi32, #tpu.memory_space<hbm>>
      %dma_wait3A_44 = tpu.memref_squeeze %dma_wait3A_43 : memref<1x1x128xi32, #tpu.memory_space<hbm>> -> memref<128xi32, #tpu.memory_space<hbm>>
      tpu.wait_dma2 semaphore(%run_scoped3A_26 : memref<!tpu.dma_semaphore, #tpu.memory_space<semaphore_mem>>) src(%dma_wait3A_44 : memref<128xi32, #tpu.memory_space<hbm>>) dst(%dma_wait3A_41 : memref<128xi32, #tpu.memory_space<vmem>>)
      tpu.yield
    }) : () -> ()
    %run_scoped3A_11 = arith.constant 3 : i32
    "tpu.region"() ({
      %run_scoped3A_26 = tpu.sem_alloc : memref<!tpu.dma_semaphore, #tpu.memory_space<semaphore_mem>>
      %dma_start3A = arith.constant 0 : i32
      %dma_start3A_27 = tpu.memref_slice %arg8[%dma_start3A] : memref<144xi32, #tpu.memory_space<vmem>> -> memref<128xi32, #tpu.memory_space<vmem>>
      %dma_start3A_28 = arith.constant 0 : i32
      %dma_start3A_29 = tpu.memref_slice %arg2[%run_scoped3A_11, %arg1, %dma_start3A_28] : memref<4x16x128xi32, #tpu.memory_space<hbm>> -> memref<1x1x128xi32, #tpu.memory_space<hbm>>
      %dma_start3A_30 = tpu.memref_squeeze %dma_start3A_29 : memref<1x1x128xi32, #tpu.memory_space<hbm>> -> memref<128xi32, #tpu.memory_space<hbm>>
      %dma_start3A_31 = arith.constant 0 : i32
      %dma_start3A_32 = tpu.memref_slice %arg8[%dma_start3A_31] : memref<144xi32, #tpu.memory_space<vmem>> -> memref<128xi32, #tpu.memory_space<vmem>>
      %dma_start3A_33 = arith.constant 0 : i32
      %dma_start3A_34 = tpu.memref_slice %arg2[%run_scoped3A_11, %arg1, %dma_start3A_33] : memref<4x16x128xi32, #tpu.memory_space<hbm>> -> memref<1x1x128xi32, #tpu.memory_space<hbm>>
      %dma_start3A_35 = tpu.memref_squeeze %dma_start3A_34 : memref<1x1x128xi32, #tpu.memory_space<hbm>> -> memref<128xi32, #tpu.memory_space<hbm>>
      tpu.enqueue_dma source(%dma_start3A_35 : memref<128xi32, #tpu.memory_space<hbm>>) target(%dma_start3A_32 : memref<128xi32, #tpu.memory_space<vmem>>) target_semaphore(%run_scoped3A_26 : memref<!tpu.dma_semaphore, #tpu.memory_space<semaphore_mem>>)
      %dma_wait3A = arith.constant 0 : i32
      %dma_wait3A_36 = tpu.memref_slice %arg8[%dma_wait3A] : memref<144xi32, #tpu.memory_space<vmem>> -> memref<128xi32, #tpu.memory_space<vmem>>
      %dma_wait3A_37 = arith.constant 0 : i32
      %dma_wait3A_38 = tpu.memref_slice %arg2[%run_scoped3A_11, %arg1, %dma_wait3A_37] : memref<4x16x128xi32, #tpu.memory_space<hbm>> -> memref<1x1x128xi32, #tpu.memory_space<hbm>>
      %dma_wait3A_39 = tpu.memref_squeeze %dma_wait3A_38 : memref<1x1x128xi32, #tpu.memory_space<hbm>> -> memref<128xi32, #tpu.memory_space<hbm>>
      %dma_wait3A_40 = arith.constant 0 : i32
      %dma_wait3A_41 = tpu.memref_slice %arg8[%dma_wait3A_40] : memref<144xi32, #tpu.memory_space<vmem>> -> memref<128xi32, #tpu.memory_space<vmem>>
      %dma_wait3A_42 = arith.constant 0 : i32
      %dma_wait3A_43 = tpu.memref_slice %arg2[%run_scoped3A_11, %arg1, %dma_wait3A_42] : memref<4x16x128xi32, #tpu.memory_space<hbm>> -> memref<1x1x128xi32, #tpu.memory_space<hbm>>
      %dma_wait3A_44 = tpu.memref_squeeze %dma_wait3A_43 : memref<1x1x128xi32, #tpu.memory_space<hbm>> -> memref<128xi32, #tpu.memory_space<hbm>>
      tpu.wait_dma2 semaphore(%run_scoped3A_26 : memref<!tpu.dma_semaphore, #tpu.memory_space<semaphore_mem>>) src(%dma_wait3A_44 : memref<128xi32, #tpu.memory_space<hbm>>) dst(%dma_wait3A_41 : memref<128xi32, #tpu.memory_space<vmem>>)
      tpu.yield
    }) : () -> ()
    %iota3A = tpu.iota {dimensions = array<i32: 0>} : vector<16xi32>
    %scan3A_12 = arith.constant 0 : i32
    %scan3A_13 = arith.constant 0 : i32
    %scan3A_14 = arith.constant 128 : i32
    %scan3A_15 = arith.addi %scan3A_13, %scan3A_14 : i32
    %scan3A_16 = arith.constant 1 : i32
    scf.for %scan3A_26 = %scan3A_13 to %scan3A_15 step %scan3A_16  : i32 {
      %get3A = arith.index_cast %scan3A_26 : i32 to index
      %get3A_27 = tpu.vector_load %arg5[%get3A] {strides = array<i32>} : memref<144xi32, #tpu.memory_space<vmem>>, vector<16xi32>,
      %get3A_28 = vector.shape_cast %get3A_27 : vector<16xi32> to vector<16xi32>
      %slice3A = vector.extract_strided_slice %get3A_28 {offsets = [0], sizes = [1], strides = [1]} : vector<16xi32> to vector<1xi32>
      %squeeze3A = vector.extract %slice3A[0] : i32 from vector<1xi32>
      %get3A_29 = arith.index_cast %scan3A_26 : i32 to index
      %get3A_30 = tpu.vector_load %arg6[%get3A_29] {strides = array<i32>} : memref<144xi32, #tpu.memory_space<vmem>>, vector<16xi32>,
      %get3A_31 = vector.shape_cast %get3A_30 : vector<16xi32> to vector<16xi32>
      %slice3A_32 = vector.extract_strided_slice %get3A_31 {offsets = [0], sizes = [1], strides = [1]} : vector<16xi32> to vector<1xi32>
      %squeeze3A_33 = vector.extract %slice3A_32[0] : i32 from vector<1xi32>
      %get3A_34 = arith.index_cast %scan3A_26 : i32 to index
      %get3A_35 = tpu.vector_load %arg7[%get3A_34] {strides = array<i32>} : memref<144xi32, #tpu.memory_space<vmem>>, vector<16xi32>,
      %get3A_36 = vector.shape_cast %get3A_35 : vector<16xi32> to vector<16xi32>
      %slice3A_37 = vector.extract_strided_slice %get3A_36 {offsets = [0], sizes = [1], strides = [1]} : vector<16xi32> to vector<1xi32>
      %squeeze3A_38 = vector.extract %slice3A_37[0] : i32 from vector<1xi32>
      %get3A_39 = arith.index_cast %scan3A_26 : i32 to index
      %get3A_40 = tpu.vector_load %arg8[%get3A_39] {strides = array<i32>} : memref<144xi32, #tpu.memory_space<vmem>>, vector<16xi32>,
      %get3A_41 = vector.shape_cast %get3A_40 : vector<16xi32> to vector<16xi32>
      %slice3A_42 = vector.extract_strided_slice %get3A_41 {offsets = [0], sizes = [1], strides = [1]} : vector<16xi32> to vector<1xi32>
      %squeeze3A_43 = vector.extract %slice3A_42[0] : i32 from vector<1xi32>
      %sub3A = arith.subi %squeeze3A_33, %squeeze3A_38 : i32
      %max3A = arith.maxsi %sub3A, %mul3A_0 : i32
      %add3A = arith.addi %squeeze3A_33, %squeeze3A_38 : i32
      %min3A = arith.minsi %add3A, %select_n3A : i32
      %eq3A_44 = arith.constant 1 : i32
      %eq3A_45 = arith.cmpi eq, %squeeze3A_43, %eq3A_44 : i32
      %le3A = arith.cmpi sle, %max3A, %min3A : i32
      %and3A = arith.andi %eq3A_45, %le3A : i1
      %convert_element_type3A_46 = arith.extui %and3A : i1 to i32
      %cond3A_47 = arith.constant 0 : i32
      %cond3A_48 = arith.cmpi ne, %convert_element_type3A_46, %cond3A_47 : i32
      scf.if %cond3A_48 {
        %sub3A_49 = arith.subi %squeeze3A, %squeeze3A_38 : i32
        %jit3A_50 = arith.constant 0 : i32
        %jit3A_51 = arith.constant 96 : i32
        %max3A_52 = arith.maxsi %jit3A_50, %sub3A_49 : i32
        %min3A_53 = arith.minsi %jit3A_51, %max3A_52 : i32
        %broadcast_in_dim3A_54 = vector.broadcast %squeeze3A_38 : i32 to vector<16xi32>
        %convert_element_type3A_55 = arith.sitofp %broadcast_in_dim3A_54 : vector<16xi32> to vector<16xf32>
        %mul3A_56 = arith.constant 2.000000e+00 : f32
        %mul3A_57 = vector.broadcast %mul3A_56 : f32 to vector<16xf32>
        %mul3A_58 = arith.mulf %mul3A_57, %convert_element_type3A_55 : vector<16xf32>
        %add3A_59 = arith.constant 1.000000e+00 : f32
        %add3A_60 = vector.broadcast %add3A_59 : f32 to vector<16xf32>
        %add3A_61 = arith.addf %mul3A_58, %add3A_60 : vector<16xf32>
        %div3A = arith.constant 6.000000e+00 : f32
        %div3A_62 = vector.broadcast %div3A : f32 to vector<16xf32>
        %div3A_63 = arith.divf %add3A_61, %div3A_62 : vector<16xf32>
        %mul3A_64 = arith.constant 2.000000e+00 : f32
        %mul3A_65 = vector.broadcast %mul3A_64 : f32 to vector<16xf32>
        %mul3A_66 = arith.mulf %mul3A_65, %div3A_63 : vector<16xf32>
        %mul3A_67 = arith.mulf %mul3A_66, %div3A_63 : vector<16xf32>
        %add3A_68 = arith.constant 9.99999996E-13 : f32
        %add3A_69 = vector.broadcast %add3A_68 : f32 to vector<16xf32>
        %add3A_70 = arith.addf %mul3A_67, %add3A_69 : vector<16xf32>
        %div3A_71 = arith.constant 1.000000e+00 : f32
        %div3A_72 = vector.broadcast %div3A_71 : f32 to vector<16xf32>
        %div3A_73 = arith.divf %div3A_72, %add3A_70 : vector<16xf32>
        %sub3A_74 = arith.subi %min3A_53, %squeeze3A : i32
        %add3A_75 = vector.broadcast %sub3A_74 : i32 to vector<16xi32>
        %add3A_76 = arith.addi %iota3A, %add3A_75 : vector<16xi32>
        %add3A_77 = arith.constant 16 : i32
        %add3A_78 = vector.broadcast %add3A_77 : i32 to vector<16xi32>
        %add3A_79 = arith.addi %add3A_76, %add3A_78 : vector<16xi32>
        %abs3A = math.absi %add3A_76 : vector<16xi32>
        %le3A_80 = vector.broadcast %squeeze3A_38 : i32 to vector<16xi32>
        %le3A_81 = arith.cmpi sle, %abs3A, %le3A_80 : vector<16xi32>
        %mul3A_82 = arith.muli %add3A_76, %add3A_76 : vector<16xi32>
        %convert_element_type3A_83 = arith.sitofp %mul3A_82 : vector<16xi32> to vector<16xf32>
        %neg3A = arith.constant 0.000000e+00 : f32
        %neg3A_84 = vector.broadcast %neg3A : f32 to vector<16xf32>
        %neg3A_85 = arith.subf %neg3A_84, %convert_element_type3A_83 : vector<16xf32>
        %mul3A_86 = arith.mulf %neg3A_85, %div3A_73 : vector<16xf32>
        %exp3A = math.exp %mul3A_86 : vector<16xf32>
        %jit3A_87 = arith.constant 0.000000e+00 : f32
        %broadcast_in_dim3A_88 = vector.broadcast %jit3A_87 : f32 to vector<16xf32>
        %select_n3A_89 = arith.select %le3A_81, %exp3A, %broadcast_in_dim3A_88 : vector<16xi1>, vector<16xf32>
        %abs3A_90 = math.absi %add3A_79 : vector<16xi32>
        %le3A_91 = vector.broadcast %squeeze3A_38 : i32 to vector<16xi32>
        %le3A_92 = arith.cmpi sle, %abs3A_90, %le3A_91 : vector<16xi32>
        %mul3A_93 = arith.muli %add3A_79, %add3A_79 : vector<16xi32>
        %convert_element_type3A_94 = arith.sitofp %mul3A_93 : vector<16xi32> to vector<16xf32>
        %neg3A_95 = arith.constant 0.000000e+00 : f32
        %neg3A_96 = vector.broadcast %neg3A_95 : f32 to vector<16xf32>
        %neg3A_97 = arith.subf %neg3A_96, %convert_element_type3A_94 : vector<16xf32>
        %mul3A_98 = arith.mulf %neg3A_97, %div3A_73 : vector<16xf32>
        %exp3A_99 = math.exp %mul3A_98 : vector<16xf32>
        %jit3A_100 = arith.constant 0.000000e+00 : f32
        %broadcast_in_dim3A_101 = vector.broadcast %jit3A_100 : f32 to vector<16xf32>
        %select_n3A_102 = arith.select %le3A_92, %exp3A_99, %broadcast_in_dim3A_101 : vector<16xi1>, vector<16xf32>
        %add3A_103 = arith.constant 1 : i32
        %add3A_104 = arith.addi %min3A, %add3A_103 : i32
        %while3A = arith.constant 0 : i32
        %while3A_105 = arith.subi %add3A_104, %max3A : i32
        %while3A_106 = arith.addi %max3A, %while3A_105 : i32
        %while3A_107 = arith.constant 1 : i32
        %while3A_108 = arith.divsi %while3A_105, %while3A_107 : i32
        %while3A_109 = arith.muli %while3A_108, %while3A_107 : i32
        %while3A_110 = arith.addi %max3A, %while3A_109 : i32
        %while3A_111 = arith.constant 1 : i32
        scf.for %while3A_113 = %max3A to %while3A_110 step %while3A_111  : i32 {
          %sub3A_114 = arith.subi %while3A_113, %mul3A_0 : i32
          %sub3A_115 = arith.subi %while3A_113, %squeeze3A_33 : i32
          %sub3A_116 = arith.subi %while3A_113, %squeeze3A_33 : i32
          %mul3A_117 = arith.muli %sub3A_115, %sub3A_116 : i32
          %neg3A_118 = arith.constant 0 : i32
          %neg3A_119 = arith.subi %neg3A_118, %mul3A_117 : i32
          %broadcast_in_dim3A_120 = vector.broadcast %neg3A_119 : i32 to vector<16xi32>
          %convert_element_type3A_121 = arith.sitofp %broadcast_in_dim3A_120 : vector<16xi32> to vector<16xf32>
          %mul3A_122 = arith.mulf %convert_element_type3A_121, %div3A_73 : vector<16xf32>
          %exp3A_123 = math.exp %mul3A_122 : vector<16xf32>
          %get3A_124 = arith.index_cast %sub3A_114 : i32 to index
          %get3A_125 = arith.index_cast %min3A_53 : i32 to index
          %get3A_126 = tpu.vector_load %arg4[%get3A_124, %get3A_125] {strides = array<i32>} : memref<80x128xf32, #tpu.memory_space<vmem>>, vector<1x16xf32>,
          %get3A_127 = vector.shape_cast %get3A_126 : vector<1x16xf32> to vector<16xf32>
          %mul3A_128 = arith.mulf %select_n3A_89, %exp3A_123 : vector<16xf32>
          %max3A_129 = arith.maximumf %get3A_127, %mul3A_128 : vector<16xf32>
          %swap3A = arith.index_cast %sub3A_114 : i32 to index
          %swap3A_130 = arith.index_cast %min3A_53 : i32 to index
          %swap3A_131 = tpu.vector_load %arg4[%swap3A, %swap3A_130] {strides = array<i32>} : memref<80x128xf32, #tpu.memory_space<vmem>>, vector<1x16xf32>,
          %swap3A_132 = vector.shape_cast %swap3A_131 : vector<1x16xf32> to vector<16xf32>
          %swap3A_133 = vector.shape_cast %max3A_129 : vector<16xf32> to vector<1x16xf32>
          tpu.vector_store %arg4[%swap3A, %swap3A_130], %swap3A_133 {strides = array<i32>} : memref<80x128xf32, #tpu.memory_space<vmem>>, vector<1x16xf32>,
          %add3A_134 = arith.constant 16 : i32
          %add3A_135 = arith.addi %min3A_53, %add3A_134 : i32
          %get3A_136 = arith.index_cast %sub3A_114 : i32 to index
          %get3A_137 = arith.index_cast %add3A_135 : i32 to index
          %get3A_138 = tpu.vector_load %arg4[%get3A_136, %get3A_137] {strides = array<i32>} : memref<80x128xf32, #tpu.memory_space<vmem>>, vector<1x16xf32>,
          %get3A_139 = vector.shape_cast %get3A_138 : vector<1x16xf32> to vector<16xf32>
          %mul3A_140 = arith.mulf %select_n3A_102, %exp3A_123 : vector<16xf32>
          %max3A_141 = arith.maximumf %get3A_139, %mul3A_140 : vector<16xf32>
          %add3A_142 = arith.constant 16 : i32
          %add3A_143 = arith.addi %min3A_53, %add3A_142 : i32
          %swap3A_144 = arith.index_cast %sub3A_114 : i32 to index
          %swap3A_145 = arith.index_cast %add3A_143 : i32 to index
          %swap3A_146 = tpu.vector_load %arg4[%swap3A_144, %swap3A_145] {strides = array<i32>} : memref<80x128xf32, #tpu.memory_space<vmem>>, vector<1x16xf32>,
          %swap3A_147 = vector.shape_cast %swap3A_146 : vector<1x16xf32> to vector<16xf32>
          %swap3A_148 = vector.shape_cast %max3A_141 : vector<16xf32> to vector<1x16xf32>
          tpu.vector_store %arg4[%swap3A_144, %swap3A_145], %swap3A_148 {strides = array<i32>} : memref<80x128xf32, #tpu.memory_space<vmem>>, vector<1x16xf32>,
        }
        %while3A_112 = arith.constant 1 : i32
        scf.for %while3A_113 = %while3A_110 to %while3A_106 step %while3A_112  : i32 {
          %sub3A_114 = arith.subi %while3A_113, %mul3A_0 : i32
          %sub3A_115 = arith.subi %while3A_113, %squeeze3A_33 : i32
          %sub3A_116 = arith.subi %while3A_113, %squeeze3A_33 : i32
          %mul3A_117 = arith.muli %sub3A_115, %sub3A_116 : i32
          %neg3A_118 = arith.constant 0 : i32
          %neg3A_119 = arith.subi %neg3A_118, %mul3A_117 : i32
          %broadcast_in_dim3A_120 = vector.broadcast %neg3A_119 : i32 to vector<16xi32>
          %convert_element_type3A_121 = arith.sitofp %broadcast_in_dim3A_120 : vector<16xi32> to vector<16xf32>
          %mul3A_122 = arith.mulf %convert_element_type3A_121, %div3A_73 : vector<16xf32>
          %exp3A_123 = math.exp %mul3A_122 : vector<16xf32>
          %get3A_124 = arith.index_cast %sub3A_114 : i32 to index
          %get3A_125 = arith.index_cast %min3A_53 : i32 to index
          %get3A_126 = tpu.vector_load %arg4[%get3A_124, %get3A_125] {strides = array<i32>} : memref<80x128xf32, #tpu.memory_space<vmem>>, vector<1x16xf32>,
          %get3A_127 = vector.shape_cast %get3A_126 : vector<1x16xf32> to vector<16xf32>
          %mul3A_128 = arith.mulf %select_n3A_89, %exp3A_123 : vector<16xf32>
          %max3A_129 = arith.maximumf %get3A_127, %mul3A_128 : vector<16xf32>
          %swap3A = arith.index_cast %sub3A_114 : i32 to index
          %swap3A_130 = arith.index_cast %min3A_53 : i32 to index
          %swap3A_131 = tpu.vector_load %arg4[%swap3A, %swap3A_130] {strides = array<i32>} : memref<80x128xf32, #tpu.memory_space<vmem>>, vector<1x16xf32>,
          %swap3A_132 = vector.shape_cast %swap3A_131 : vector<1x16xf32> to vector<16xf32>
          %swap3A_133 = vector.shape_cast %max3A_129 : vector<16xf32> to vector<1x16xf32>
          tpu.vector_store %arg4[%swap3A, %swap3A_130], %swap3A_133 {strides = array<i32>} : memref<80x128xf32, #tpu.memory_space<vmem>>, vector<1x16xf32>,
          %add3A_134 = arith.constant 16 : i32
          %add3A_135 = arith.addi %min3A_53, %add3A_134 : i32
          %get3A_136 = arith.index_cast %sub3A_114 : i32 to index
          %get3A_137 = arith.index_cast %add3A_135 : i32 to index
          %get3A_138 = tpu.vector_load %arg4[%get3A_136, %get3A_137] {strides = array<i32>} : memref<80x128xf32, #tpu.memory_space<vmem>>, vector<1x16xf32>,
          %get3A_139 = vector.shape_cast %get3A_138 : vector<1x16xf32> to vector<16xf32>
          %mul3A_140 = arith.mulf %select_n3A_102, %exp3A_123 : vector<16xf32>
          %max3A_141 = arith.maximumf %get3A_139, %mul3A_140 : vector<16xf32>
          %add3A_142 = arith.constant 16 : i32
          %add3A_143 = arith.addi %min3A_53, %add3A_142 : i32
          %swap3A_144 = arith.index_cast %sub3A_114 : i32 to index
          %swap3A_145 = arith.index_cast %add3A_143 : i32 to index
          %swap3A_146 = tpu.vector_load %arg4[%swap3A_144, %swap3A_145] {strides = array<i32>} : memref<80x128xf32, #tpu.memory_space<vmem>>, vector<1x16xf32>,
          %swap3A_147 = vector.shape_cast %swap3A_146 : vector<1x16xf32> to vector<16xf32>
          %swap3A_148 = vector.shape_cast %max3A_141 : vector<16xf32> to vector<1x16xf32>
          tpu.vector_store %arg4[%swap3A_144, %swap3A_145], %swap3A_148 {strides = array<i32>} : memref<80x128xf32, #tpu.memory_space<vmem>>, vector<1x16xf32>,
        }
      } else {
      }
    }
    %scan3A_17 = arith.constant 128 : i32
    %eq3A_18 = arith.constant 0 : i32
    %eq3A_19 = arith.cmpi eq, %arg0, %eq3A_18 : i32
    %convert_element_type3A = arith.extui %eq3A_19 : i1 to i32
    %cond3A = arith.constant 0 : i32
    %cond3A_20 = arith.cmpi ne, %convert_element_type3A, %cond3A : i32
    scf.if %cond3A_20 {
      "tpu.region"() ({
        %run_scoped3A_26 = tpu.sem_alloc : memref<!tpu.dma_semaphore, #tpu.memory_space<semaphore_mem>>
        %dma_start3A = arith.constant 0 : i32
        %dma_start3A_27 = arith.constant 0 : i32
        %dma_start3A_28 = tpu.memref_slice %arg4[%dma_start3A, %dma_start3A_27] : memref<80x128xf32, #tpu.memory_space<vmem>> -> memref<48x128xf32, #tpu.memory_space<vmem>>
        %dma_start3A_29 = arith.constant 0 : i32
        %dma_start3A_30 = arith.constant 0 : i32
        %dma_start3A_31 = tpu.memref_slice %arg3[%arg1, %dma_start3A_29, %dma_start3A_30] : memref<16x128x128xf32, #tpu.memory_space<hbm>> -> memref<1x48x128xf32, #tpu.memory_space<hbm>>
        %dma_start3A_32 = tpu.memref_squeeze %dma_start3A_31 : memref<1x48x128xf32, #tpu.memory_space<hbm>> -> memref<48x128xf32, #tpu.memory_space<hbm>>
        %dma_start3A_33 = arith.constant 0 : i32
        %dma_start3A_34 = arith.constant 0 : i32
        %dma_start3A_35 = tpu.memref_slice %arg3[%arg1, %dma_start3A_33, %dma_start3A_34] : memref<16x128x128xf32, #tpu.memory_space<hbm>> -> memref<1x48x128xf32, #tpu.memory_space<hbm>>
        %dma_start3A_36 = tpu.memref_squeeze %dma_start3A_35 : memref<1x48x128xf32, #tpu.memory_space<hbm>> -> memref<48x128xf32, #tpu.memory_space<hbm>>
        %dma_start3A_37 = arith.constant 0 : i32
        %dma_start3A_38 = arith.constant 0 : i32
        %dma_start3A_39 = tpu.memref_slice %arg4[%dma_start3A_37, %dma_start3A_38] : memref<80x128xf32, #tpu.memory_space<vmem>> -> memref<48x128xf32, #tpu.memory_space<vmem>>
        tpu.enqueue_dma source(%dma_start3A_39 : memref<48x128xf32, #tpu.memory_space<vmem>>) target(%dma_start3A_36 : memref<48x128xf32, #tpu.memory_space<hbm>>) target_semaphore(%run_scoped3A_26 : memref<!tpu.dma_semaphore, #tpu.memory_space<semaphore_mem>>)
        %dma_wait3A = arith.constant 0 : i32
        %dma_wait3A_40 = arith.constant 0 : i32
        %dma_wait3A_41 = tpu.memref_slice %arg4[%dma_wait3A, %dma_wait3A_40] : memref<80x128xf32, #tpu.memory_space<vmem>> -> memref<48x128xf32, #tpu.memory_space<vmem>>
        %dma_wait3A_42 = arith.constant 0 : i32
        %dma_wait3A_43 = arith.constant 0 : i32
        %dma_wait3A_44 = tpu.memref_slice %arg3[%arg1, %dma_wait3A_42, %dma_wait3A_43] : memref<16x128x128xf32, #tpu.memory_space<hbm>> -> memref<1x48x128xf32, #tpu.memory_space<hbm>>
        %dma_wait3A_45 = tpu.memref_squeeze %dma_wait3A_44 : memref<1x48x128xf32, #tpu.memory_space<hbm>> -> memref<48x128xf32, #tpu.memory_space<hbm>>
        %dma_wait3A_46 = arith.constant 0 : i32
        %dma_wait3A_47 = arith.constant 0 : i32
        %dma_wait3A_48 = tpu.memref_slice %arg3[%arg1, %dma_wait3A_46, %dma_wait3A_47] : memref<16x128x128xf32, #tpu.memory_space<hbm>> -> memref<1x48x128xf32, #tpu.memory_space<hbm>>
        %dma_wait3A_49 = tpu.memref_squeeze %dma_wait3A_48 : memref<1x48x128xf32, #tpu.memory_space<hbm>> -> memref<48x128xf32, #tpu.memory_space<hbm>>
        %dma_wait3A_50 = arith.constant 0 : i32
        %dma_wait3A_51 = arith.constant 0 : i32
        %dma_wait3A_52 = tpu.memref_slice %arg4[%dma_wait3A_50, %dma_wait3A_51] : memref<80x128xf32, #tpu.memory_space<vmem>> -> memref<48x128xf32, #tpu.memory_space<vmem>>
        tpu.wait_dma2 semaphore(%run_scoped3A_26 : memref<!tpu.dma_semaphore, #tpu.memory_space<semaphore_mem>>) src(%dma_wait3A_52 : memref<48x128xf32, #tpu.memory_space<vmem>>) dst(%dma_wait3A_49 : memref<48x128xf32, #tpu.memory_space<hbm>>)
        tpu.yield
      }) : () -> ()
    } else {
    }
    %eq3A_21 = arith.constant 1 : i32
    %eq3A_22 = arith.cmpi eq, %arg0, %eq3A_21 : i32
    %convert_element_type3A_23 = arith.extui %eq3A_22 : i1 to i32
    %cond3A_24 = arith.constant 0 : i32
    %cond3A_25 = arith.cmpi ne, %convert_element_type3A_23, %cond3A_24 : i32
    scf.if %cond3A_25 {
      "tpu.region"() ({
        %run_scoped3A_26 = tpu.sem_alloc : memref<!tpu.dma_semaphore, #tpu.memory_space<semaphore_mem>>
        %dma_start3A = arith.constant 48 : i32
        %dma_start3A_27 = arith.constant 0 : i32
        %dma_start3A_28 = tpu.memref_slice %arg3[%arg1, %dma_start3A, %dma_start3A_27] : memref<16x128x128xf32, #tpu.memory_space<hbm>> -> memref<1x80x128xf32, #tpu.memory_space<hbm>>
        %dma_start3A_29 = tpu.memref_squeeze %dma_start3A_28 : memref<1x80x128xf32, #tpu.memory_space<hbm>> -> memref<80x128xf32, #tpu.memory_space<hbm>>
        %dma_start3A_30 = arith.constant 48 : i32
        %dma_start3A_31 = arith.constant 0 : i32
        %dma_start3A_32 = tpu.memref_slice %arg3[%arg1, %dma_start3A_30, %dma_start3A_31] : memref<16x128x128xf32, #tpu.memory_space<hbm>> -> memref<1x80x128xf32, #tpu.memory_space<hbm>>
        %dma_start3A_33 = tpu.memref_squeeze %dma_start3A_32 : memref<1x80x128xf32, #tpu.memory_space<hbm>> -> memref<80x128xf32, #tpu.memory_space<hbm>>
        tpu.enqueue_dma source(%arg4 : memref<80x128xf32, #tpu.memory_space<vmem>>) target(%dma_start3A_33 : memref<80x128xf32, #tpu.memory_space<hbm>>) target_semaphore(%run_scoped3A_26 : memref<!tpu.dma_semaphore, #tpu.memory_space<semaphore_mem>>)
        %dma_wait3A = arith.constant 48 : i32
        %dma_wait3A_34 = arith.constant 0 : i32
        %dma_wait3A_35 = tpu.memref_slice %arg3[%arg1, %dma_wait3A, %dma_wait3A_34] : memref<16x128x128xf32, #tpu.memory_space<hbm>> -> memref<1x80x128xf32, #tpu.memory_space<hbm>>
        %dma_wait3A_36 = tpu.memref_squeeze %dma_wait3A_35 : memref<1x80x128xf32, #tpu.memory_space<hbm>> -> memref<80x128xf32, #tpu.memory_space<hbm>>
        %dma_wait3A_37 = arith.constant 48 : i32
        %dma_wait3A_38 = arith.constant 0 : i32
        %dma_wait3A_39 = tpu.memref_slice %arg3[%arg1, %dma_wait3A_37, %dma_wait3A_38] : memref<16x128x128xf32, #tpu.memory_space<hbm>> -> memref<1x80x128xf32, #tpu.memory_space<hbm>>
        %dma_wait3A_40 = tpu.memref_squeeze %dma_wait3A_39 : memref<1x80x128xf32, #tpu.memory_space<hbm>> -> memref<80x128xf32, #tpu.memory_space<hbm>>
        tpu.wait_dma2 semaphore(%run_scoped3A_26 : memref<!tpu.dma_semaphore, #tpu.memory_space<semaphore_mem>>) src(%arg4 : memref<80x128xf32, #tpu.memory_space<vmem>>) dst(%dma_wait3A_40 : memref<80x128xf32, #tpu.memory_space<hbm>>)
        tpu.yield
      }) : () -> ()
    } else {
    }
    return
  }
}

module attributes {stable_mosaic.version = 14 : i64} {
  func.func @_prep_body(%arg0: memref<5x16x128xf32, #tpu.memory_space<vmem>>, %arg1: memref<4x16x128xi32, #tpu.memory_space<vmem>>, %arg2: memref<16x128xi32, #tpu.memory_space<vmem>>, %arg3: memref<1x128xi32, #tpu.memory_space<vmem>>) attributes {dimension_semantics = [], scalar_prefetch = 0 : i64, scratch_operands = 0 : i64, tpu.core_type = #tpu.core_type<tc>} {
    %get3A = arith.constant 0 : index
    %get3A_0 = arith.constant 0 : index
    %get3A_1 = arith.constant 0 : index
    %get3A_2 = vector.load %arg0[%get3A, %get3A_0, %get3A_1] : memref<5x16x128xf32, #tpu.memory_space<vmem>>, vector<1x16x128xf32>
    %get3A_3 = vector.shape_cast %get3A_2 : vector<1x16x128xf32> to vector<16x128xf32>
    %get3A_4 = arith.constant 1 : index
    %get3A_5 = arith.constant 0 : index
    %get3A_6 = arith.constant 0 : index
    %get3A_7 = vector.load %arg0[%get3A_4, %get3A_5, %get3A_6] : memref<5x16x128xf32, #tpu.memory_space<vmem>>, vector<1x16x128xf32>
    %get3A_8 = vector.shape_cast %get3A_7 : vector<1x16x128xf32> to vector<16x128xf32>
    %get3A_9 = arith.constant 2 : index
    %get3A_10 = arith.constant 0 : index
    %get3A_11 = arith.constant 0 : index
    %get3A_12 = vector.load %arg0[%get3A_9, %get3A_10, %get3A_11] : memref<5x16x128xf32, #tpu.memory_space<vmem>>, vector<1x16x128xf32>
    %get3A_13 = vector.shape_cast %get3A_12 : vector<1x16x128xf32> to vector<16x128xf32>
    %get3A_14 = arith.constant 3 : index
    %get3A_15 = arith.constant 0 : index
    %get3A_16 = arith.constant 0 : index
    %get3A_17 = vector.load %arg0[%get3A_14, %get3A_15, %get3A_16] : memref<5x16x128xf32, #tpu.memory_space<vmem>>, vector<1x16x128xf32>
    %get3A_18 = vector.shape_cast %get3A_17 : vector<1x16x128xf32> to vector<16x128xf32>
    %get3A_19 = arith.constant 4 : index
    %get3A_20 = arith.constant 0 : index
    %get3A_21 = arith.constant 0 : index
    %get3A_22 = vector.load %arg0[%get3A_19, %get3A_20, %get3A_21] : memref<5x16x128xf32, #tpu.memory_space<vmem>>, vector<1x16x128xf32>
    %get3A_23 = vector.shape_cast %get3A_22 : vector<1x16x128xf32> to vector<16x128xf32>
    %mul3A = arith.constant 1.280000e+02 : f32
    %mul3A_24 = vector.broadcast %mul3A : f32 to vector<16x128xf32>
    %mul3A_25 = arith.mulf %get3A_3, %mul3A_24 : vector<16x128xf32>
    %mul3A_26 = arith.constant 1.280000e+02 : f32
    %mul3A_27 = vector.broadcast %mul3A_26 : f32 to vector<16x128xf32>
    %mul3A_28 = arith.mulf %get3A_8, %mul3A_27 : vector<16x128xf32>
    %mul3A_29 = arith.constant 1.280000e+02 : f32
    %mul3A_30 = vector.broadcast %mul3A_29 : f32 to vector<16x128xf32>
    %mul3A_31 = arith.mulf %get3A_13, %mul3A_30 : vector<16x128xf32>
    %mul3A_32 = arith.constant 1.280000e+02 : f32
    %mul3A_33 = vector.broadcast %mul3A_32 : f32 to vector<16x128xf32>
    %mul3A_34 = arith.mulf %get3A_18, %mul3A_33 : vector<16x128xf32>
    %sub3A = arith.subf %mul3A_31, %mul3A_25 : vector<16x128xf32>
    %sub3A_35 = arith.subf %mul3A_34, %mul3A_28 : vector<16x128xf32>
    %add3A = arith.addf %sub3A_35, %sub3A : vector<16x128xf32>
    %mul3A_36 = arith.mulf %sub3A, %sub3A_35 : vector<16x128xf32>
    %mul3A_37 = arith.constant 3.000000e-01 : f32
    %mul3A_38 = vector.broadcast %mul3A_37 : f32 to vector<16x128xf32>
    %mul3A_39 = arith.mulf %mul3A_36, %mul3A_38 : vector<16x128xf32>
    %div3A = arith.constant 1.700000e+00 : f32
    %div3A_40 = vector.broadcast %div3A : f32 to vector<16x128xf32>
    %div3A_41 = arith.divf %mul3A_39, %div3A_40 : vector<16x128xf32>
    %integer_pow3A = arith.mulf %add3A, %add3A : vector<16x128xf32>
    %mul3A_42 = arith.constant 4.000000e+00 : f32
    %mul3A_43 = vector.broadcast %mul3A_42 : f32 to vector<16x128xf32>
    %mul3A_44 = arith.mulf %mul3A_43, %div3A_41 : vector<16x128xf32>
    %sub3A_45 = arith.subf %integer_pow3A, %mul3A_44 : vector<16x128xf32>
    %max3A = arith.constant 0.000000e+00 : f32
    %max3A_46 = vector.broadcast %max3A : f32 to vector<16x128xf32>
    %max3A_47 = arith.maximumf %sub3A_45, %max3A_46 : vector<16x128xf32>
    %sqrt3A = math.sqrt %max3A_47 : vector<16x128xf32>
    %add3A_48 = arith.addf %add3A, %sqrt3A : vector<16x128xf32>
    %div3A_49 = arith.constant 2.000000e+00 : f32
    %div3A_50 = vector.broadcast %div3A_49 : f32 to vector<16x128xf32>
    %div3A_51 = arith.divf %add3A_48, %div3A_50 : vector<16x128xf32>
    %add3A_52 = arith.addf %sub3A_35, %sub3A : vector<16x128xf32>
    %mul3A_53 = arith.constant 2.000000e+00 : f32
    %mul3A_54 = vector.broadcast %mul3A_53 : f32 to vector<16x128xf32>
    %mul3A_55 = arith.mulf %mul3A_54, %add3A_52 : vector<16x128xf32>
    %mul3A_56 = arith.constant 3.000000e-01 : f32
    %mul3A_57 = vector.broadcast %mul3A_56 : f32 to vector<16x128xf32>
    %mul3A_58 = arith.mulf %mul3A_57, %sub3A : vector<16x128xf32>
    %mul3A_59 = arith.mulf %mul3A_58, %sub3A_35 : vector<16x128xf32>
    %integer_pow3A_60 = arith.mulf %mul3A_55, %mul3A_55 : vector<16x128xf32>
    %mul3A_61 = arith.constant 1.600000e+01 : f32
    %mul3A_62 = vector.broadcast %mul3A_61 : f32 to vector<16x128xf32>
    %mul3A_63 = arith.mulf %mul3A_62, %mul3A_59 : vector<16x128xf32>
    %sub3A_64 = arith.subf %integer_pow3A_60, %mul3A_63 : vector<16x128xf32>
    %max3A_65 = arith.constant 0.000000e+00 : f32
    %max3A_66 = vector.broadcast %max3A_65 : f32 to vector<16x128xf32>
    %max3A_67 = arith.maximumf %sub3A_64, %max3A_66 : vector<16x128xf32>
    %sqrt3A_68 = math.sqrt %max3A_67 : vector<16x128xf32>
    %add3A_69 = arith.addf %mul3A_55, %sqrt3A_68 : vector<16x128xf32>
    %div3A_70 = arith.constant 2.000000e+00 : f32
    %div3A_71 = vector.broadcast %div3A_70 : f32 to vector<16x128xf32>
    %div3A_72 = arith.divf %add3A_69, %div3A_71 : vector<16x128xf32>
    %add3A_73 = arith.addf %sub3A_35, %sub3A : vector<16x128xf32>
    %mul3A_74 = arith.constant -1.400000e+00 : f32
    %mul3A_75 = vector.broadcast %mul3A_74 : f32 to vector<16x128xf32>
    %mul3A_76 = arith.mulf %mul3A_75, %add3A_73 : vector<16x128xf32>
    %mul3A_77 = arith.constant -3.000000e-01 : f32
    %mul3A_78 = vector.broadcast %mul3A_77 : f32 to vector<16x128xf32>
    %mul3A_79 = arith.mulf %mul3A_78, %sub3A : vector<16x128xf32>
    %mul3A_80 = arith.mulf %mul3A_79, %sub3A_35 : vector<16x128xf32>
    %integer_pow3A_81 = arith.mulf %mul3A_76, %mul3A_76 : vector<16x128xf32>
    %mul3A_82 = arith.constant 1.120000e+01 : f32
    %mul3A_83 = vector.broadcast %mul3A_82 : f32 to vector<16x128xf32>
    %mul3A_84 = arith.mulf %mul3A_83, %mul3A_80 : vector<16x128xf32>
    %sub3A_85 = arith.subf %integer_pow3A_81, %mul3A_84 : vector<16x128xf32>
    %max3A_86 = arith.constant 0.000000e+00 : f32
    %max3A_87 = vector.broadcast %max3A_86 : f32 to vector<16x128xf32>
    %max3A_88 = arith.maximumf %sub3A_85, %max3A_87 : vector<16x128xf32>
    %sqrt3A_89 = math.sqrt %max3A_88 : vector<16x128xf32>
    %add3A_90 = arith.addf %mul3A_76, %sqrt3A_89 : vector<16x128xf32>
    %div3A_91 = arith.constant 2.000000e+00 : f32
    %div3A_92 = vector.broadcast %div3A_91 : f32 to vector<16x128xf32>
    %div3A_93 = arith.divf %add3A_90, %div3A_92 : vector<16x128xf32>
    %min3A = arith.minimumf %div3A_51, %div3A_72 : vector<16x128xf32>
    %min3A_94 = arith.minimumf %min3A, %div3A_93 : vector<16x128xf32>
    %add3A_95 = arith.addf %mul3A_25, %mul3A_31 : vector<16x128xf32>
    %div3A_96 = arith.constant 2.000000e+00 : f32
    %div3A_97 = vector.broadcast %div3A_96 : f32 to vector<16x128xf32>
    %div3A_98 = arith.divf %add3A_95, %div3A_97 : vector<16x128xf32>
    %add3A_99 = arith.addf %mul3A_28, %mul3A_34 : vector<16x128xf32>
    %div3A_100 = arith.constant 2.000000e+00 : f32
    %div3A_101 = vector.broadcast %div3A_100 : f32 to vector<16x128xf32>
    %div3A_102 = arith.divf %add3A_99, %div3A_101 : vector<16x128xf32>
    %convert_element_type3A = arith.fptosi %div3A_98 : vector<16x128xf32> to vector<16x128xi32>
    %convert_element_type3A_103 = arith.fptosi %div3A_102 : vector<16x128xf32> to vector<16x128xi32>
    %convert_element_type3A_104 = arith.fptosi %min3A_94 : vector<16x128xf32> to vector<16x128xi32>
    %eq3A = arith.constant 1.000000e+00 : f32
    %eq3A_105 = vector.broadcast %eq3A : f32 to vector<16x128xf32>
    %eq3A_106 = arith.cmpf oeq, %get3A_23, %eq3A_105 : vector<16x128xf32>
    %gt3A = arith.constant 0.000000e+00 : f32
    %gt3A_107 = vector.broadcast %gt3A : f32 to vector<16x128xf32>
    %gt3A_108 = arith.cmpf ogt, %sub3A, %gt3A_107 : vector<16x128xf32>
    %and3A = arith.andi %eq3A_106, %gt3A_108 : vector<16x128xi1>
    %gt3A_109 = arith.constant 0.000000e+00 : f32
    %gt3A_110 = vector.broadcast %gt3A_109 : f32 to vector<16x128xf32>
    %gt3A_111 = arith.cmpf ogt, %sub3A_35, %gt3A_110 : vector<16x128xf32>
    %and3A_112 = arith.andi %and3A, %gt3A_111 : vector<16x128xi1>
    %convert_element_type3A_113 = arith.extui %and3A_112 : vector<16x128xi1> to vector<16x128xi32>
    %swap3A = arith.constant 0 : index
    %swap3A_114 = arith.constant 0 : index
    %swap3A_115 = arith.constant 0 : index
    %swap3A_116 = vector.load %arg1[%swap3A, %swap3A_114, %swap3A_115] : memref<4x16x128xi32, #tpu.memory_space<vmem>>, vector<1x16x128xi32>
    %swap3A_117 = vector.shape_cast %swap3A_116 : vector<1x16x128xi32> to vector<16x128xi32>
    %swap3A_118 = vector.shape_cast %convert_element_type3A : vector<16x128xi32> to vector<1x16x128xi32>
    tpu.vector_store %arg1[%swap3A, %swap3A_114, %swap3A_115], %swap3A_118 {strides = array<i32>} : memref<4x16x128xi32, #tpu.memory_space<vmem>>, vector<1x16x128xi32>,
    %swap3A_119 = arith.constant 1 : index
    %swap3A_120 = arith.constant 0 : index
    %swap3A_121 = arith.constant 0 : index
    %swap3A_122 = vector.load %arg1[%swap3A_119, %swap3A_120, %swap3A_121] : memref<4x16x128xi32, #tpu.memory_space<vmem>>, vector<1x16x128xi32>
    %swap3A_123 = vector.shape_cast %swap3A_122 : vector<1x16x128xi32> to vector<16x128xi32>
    %swap3A_124 = vector.shape_cast %convert_element_type3A_103 : vector<16x128xi32> to vector<1x16x128xi32>
    tpu.vector_store %arg1[%swap3A_119, %swap3A_120, %swap3A_121], %swap3A_124 {strides = array<i32>} : memref<4x16x128xi32, #tpu.memory_space<vmem>>, vector<1x16x128xi32>,
    %swap3A_125 = arith.constant 2 : index
    %swap3A_126 = arith.constant 0 : index
    %swap3A_127 = arith.constant 0 : index
    %swap3A_128 = vector.load %arg1[%swap3A_125, %swap3A_126, %swap3A_127] : memref<4x16x128xi32, #tpu.memory_space<vmem>>, vector<1x16x128xi32>
    %swap3A_129 = vector.shape_cast %swap3A_128 : vector<1x16x128xi32> to vector<16x128xi32>
    %swap3A_130 = vector.shape_cast %convert_element_type3A_104 : vector<16x128xi32> to vector<1x16x128xi32>
    tpu.vector_store %arg1[%swap3A_125, %swap3A_126, %swap3A_127], %swap3A_130 {strides = array<i32>} : memref<4x16x128xi32, #tpu.memory_space<vmem>>, vector<1x16x128xi32>,
    %swap3A_131 = arith.constant 3 : index
    %swap3A_132 = arith.constant 0 : index
    %swap3A_133 = arith.constant 0 : index
    %swap3A_134 = vector.load %arg1[%swap3A_131, %swap3A_132, %swap3A_133] : memref<4x16x128xi32, #tpu.memory_space<vmem>>, vector<1x16x128xi32>
    %swap3A_135 = vector.shape_cast %swap3A_134 : vector<1x16x128xi32> to vector<16x128xi32>
    %swap3A_136 = vector.shape_cast %convert_element_type3A_113 : vector<16x128xi32> to vector<1x16x128xi32>
    tpu.vector_store %arg1[%swap3A_131, %swap3A_132, %swap3A_133], %swap3A_136 {strides = array<i32>} : memref<4x16x128xi32, #tpu.memory_space<vmem>>, vector<1x16x128xi32>,
    %mul3A_137 = arith.constant 128 : i32
    %mul3A_138 = vector.broadcast %mul3A_137 : i32 to vector<16x128xi32>
    %mul3A_139 = arith.muli %convert_element_type3A_103, %mul3A_138 : vector<16x128xi32>
    %add3A_140 = arith.addi %mul3A_139, %convert_element_type3A : vector<16x128xi32>
    %jit3A = arith.constant 0 : i32
    %broadcast_in_dim3A = vector.broadcast %jit3A : i32 to vector<16x128xi32>
    %select_n3A = arith.select %and3A_112, %add3A_140, %broadcast_in_dim3A : vector<16x128xi1>, vector<16x128xi32>
    %swap3A_141 = arith.constant 0 : index
    %swap3A_142 = arith.constant 0 : index
    %swap3A_143 = vector.load %arg2[%swap3A_141, %swap3A_142] : memref<16x128xi32, #tpu.memory_space<vmem>>, vector<16x128xi32>
    tpu.vector_store %arg2[%swap3A_141, %swap3A_142], %select_n3A {strides = array<i32>} : memref<16x128xi32, #tpu.memory_space<vmem>>, vector<16x128xi32>,
    %reduce_sum3A = arith.constant dense<0> : vector<128xi32>
    %reduce_sum3A_144 = vector.multi_reduction <add>, %convert_element_type3A_113, %reduce_sum3A [0] : vector<16x128xi32> to vector<128xi32>
    %broadcast_in_dim3A_145 = vector.shape_cast %reduce_sum3A_144 : vector<128xi32> to vector<1x128xi32>
    %swap3A_146 = arith.constant 0 : index
    %swap3A_147 = arith.constant 0 : index
    %swap3A_148 = vector.load %arg3[%swap3A_146, %swap3A_147] : memref<1x128xi32, #tpu.memory_space<vmem>>, vector<1x128xi32>
    tpu.vector_store %arg3[%swap3A_146, %swap3A_147], %broadcast_in_dim3A_145 {strides = array<i32>} : memref<1x128xi32, #tpu.memory_space<vmem>>, vector<1x128xi32>,
    return
  }
}

module attributes {stable_mosaic.version = 14 : i64} {
  func.func @_copy0_body(%arg0: i32, %arg1: memref<16x80x128x128xf32, #tpu.memory_space<any>>, %arg2: memref<16x128x128xf32, #tpu.memory_space<vmem>>, %arg3: memref<16x1x128x128xf32, #tpu.memory_space<vmem>>) attributes {dimension_semantics = [#tpu.dimension_semantics<arbitrary>], iteration_bounds = array<i64: 1>, scalar_prefetch = 0 : i64, scratch_operands = 0 : i64, tpu.core_type = #tpu.core_type<tc>, window_params = [{}, {pipeline_mode = #tpu.pipeline_mode<synchronous>, transform_indices = @transform_1, window_bounds = array<i64: 16, 128, 128>}, {transform_indices = @transform_2, window_bounds = array<i64: 16, 1, 128, 128>}]} {
    %get3A = arith.constant 0 : index
    %get3A_0 = arith.constant 0 : index
    %get3A_1 = arith.constant 0 : index
    %get3A_2 = vector.load %arg2[%get3A, %get3A_0, %get3A_1] : memref<16x128x128xf32, #tpu.memory_space<vmem>>, vector<16x128x128xf32>
    %swap3A = arith.constant 0 : index
    %swap3A_3 = arith.constant 0 : index
    %swap3A_4 = arith.constant 0 : index
    %swap3A_5 = arith.constant 0 : index
    %swap3A_6 = vector.load %arg3[%swap3A, %swap3A_3, %swap3A_4, %swap3A_5] : memref<16x1x128x128xf32, #tpu.memory_space<vmem>>, vector<16x1x128x128xf32>
    %swap3A_7 = vector.shape_cast %swap3A_6 : vector<16x1x128x128xf32> to vector<16x128x128xf32>
    %swap3A_8 = vector.shape_cast %get3A_2 : vector<16x128x128xf32> to vector<16x1x128x128xf32>
    tpu.vector_store %arg3[%swap3A, %swap3A_3, %swap3A_4, %swap3A_5], %swap3A_8 {strides = array<i32>} : memref<16x1x128x128xf32, #tpu.memory_space<vmem>>, vector<16x1x128x128xf32>,
    return
  }
  func.func @transform_1(%arg0: i32) -> (i32, i32, i32) {
    %c0_i32 = arith.constant 0 : i32
    %c0_i32_0 = arith.constant 0 : i32
    %c0_i32_1 = arith.constant 0 : i32
    %c0_i32_2 = arith.constant 0 : i32
    return %c0_i32, %c0_i32_0, %c0_i32_1 : i32, i32, i32
  }
  func.func @transform_2(%arg0: i32) -> (i32, i32, i32, i32) {
    %c0_i32 = arith.constant 0 : i32
    %c0_i32_0 = arith.constant 0 : i32
    %c0_i32_1 = arith.constant 0 : i32
    %c0_i32_2 = arith.constant 0 : i32
    %c0_i32_3 = arith.constant 0 : i32
    return %c0_i32, %c0_i32_0, %c0_i32_1, %c0_i32_2 : i32, i32, i32, i32
  }
}

module attributes {stable_mosaic.version = 14 : i64} {
  func.func @_zeros_body(%arg0: i32, %arg1: memref<1x80x128x128xf32, #tpu.memory_space<vmem>>) attributes {dimension_semantics = [#tpu.dimension_semantics<arbitrary>], iteration_bounds = array<i64: 16>, scalar_prefetch = 0 : i64, scratch_operands = 0 : i64, tpu.core_type = #tpu.core_type<tc>, window_params = [{transform_indices = @transform_0, window_bounds = array<i64: 1, 80, 128, 128>}]} {
    %broadcast_in_dim3A = arith.constant 0.000000e+00 : f32
    %broadcast_in_dim3A_0 = vector.broadcast %broadcast_in_dim3A : f32 to vector<1x80x128x128xf32>
    %swap3A = arith.constant 0 : index
    %swap3A_1 = arith.constant 0 : index
    %swap3A_2 = arith.constant 0 : index
    %swap3A_3 = arith.constant 0 : index
    %swap3A_4 = vector.load %arg1[%swap3A, %swap3A_1, %swap3A_2, %swap3A_3] : memref<1x80x128x128xf32, #tpu.memory_space<vmem>>, vector<1x80x128x128xf32>
    tpu.vector_store %arg1[%swap3A, %swap3A_1, %swap3A_2, %swap3A_3], %broadcast_in_dim3A_0 {strides = array<i32>} : memref<1x80x128x128xf32, #tpu.memory_space<vmem>>, vector<1x80x128x128xf32>,
    return
  }
  func.func @transform_0(%arg0: i32) -> (i32, i32, i32, i32) {
    %c0_i32 = arith.constant 0 : i32
    %c0_i32_0 = arith.constant 0 : i32
    %c0_i32_1 = arith.constant 0 : i32
    %c0_i32_2 = arith.constant 0 : i32
    return %arg0, %c0_i32, %c0_i32_0, %c0_i32_1 : i32, i32, i32, i32
  }
}

</mosaic_0001>

<sc_bundles>
// kernel: kernel.6.cloned.1.call-start
scs
__scs_entry_jumppad:
0x0: {  	(pc) =	sbr.rel $0x88, $3  }
0x1: {  	(tag) =	ssettag $0x0;
	lr =	simm.s32 $0x1  }
0x2: {  	[smem:$0x3FA0] =	sst lr;
	_ =	strace $0xD0000000  }
0x3: {  	_ = 	snop  }
0x4: {  	_ = 	snop  }
0x5: {  	_ = 	snop  }
0x6: {  	_ = 	snop  }
0x7: {  	_ = 	snop  }
__scs_overlays_trampoline_lowered:
0x8: {  	[smem:$0x3FAF] =	sst s0  }
0x9: {  	[smem:$0x3FB0] =	sst s1  }
0xa: {  	[smem:$0x3FB1] =	sst s2  }
0xb: {  	[smem:$0x3FB2] =	sst s3  }
0xc: {  	[smem:$0x3FB3] =	sst s4  }
0xd: {  	[smem:$0x3FB4] =	sst s5  }
0xe: {  	[smem:$0x3FB5] =	sst s6  }
0xf: {  	[smem:$0x3FB6] =	sst s7  }
0x10: {  	[smem:$0x3FB7] =	sst s8  }
0x11: {  	[smem:$0x3FB8] =	sst s9;
	s0 =	simm.s32 @!p0 $0x0  }
0x12: {  	s1 =	sld [smem:$0x3F9E];
	s0 =	simm.s32 @p0 $0x1  }
0x13: {  	[smem:$0x3FB9] =	sst s0;
	s0 =	simm.s32 @!p1 $0x0  }
0x14: {  	s2 =	sld [smem:$0x3F9D];
	s0 =	simm.s32 @p1 $0x1  }
0x15: {  	[smem:$0x3FBA] =	sst s0;
	s0 =	simm.s32 @!p2 $0x0  }
0x16: {  	s3 =	sld [smem:$0x3FDB];
	s0 =	simm.s32 @p2 $0x1  }
0x17: {  	s4 =	simm.s32 $0x1BF5;
	[smem:$0x3FBC] =	sst s0  }
0x18: {  	s0 =	sld [smem:$0x3F9F];
	_ =	swait.ge [sflag:s4], $0x0  }
0x19: {  	s7 =	sld [smem:$0x3FA0]  }
0x1a: {  	s8 =	sadd.s32 $0xFFFFE003, lr  }
0x1b: {  	s9 =	sadd.s32 $0xFFFFFEF7, lr;
	s5 =	simm.s32 $0xFFFFFFFF;
	p2 =	slt.u32 s8, $0xFFFFF086  }
0x1c: {  	p1 =	slt.u32 s9, $0xF7A;
	s5 =	simm.s32 @!p2 $0x0  }
0x1d: {  	s5 =	simm.s32 @p1 $0x1;
	p0 =	seq.s32 s7, s2  }
0x1e: {  	s7 =	smul.u32 @!p0 $0xF7A, s2;
	p2 =	seq.s32 @!p0 s5, $0x0  }
0x1f: {  	s9 =	smul.u32 $0xF7A, s1;
	s8 =	simm.s32 @!p0 $0x1BF5;
	p2 =	por !p2, p0  }
0x20: {  	[sflag:s8] =	ssyncset.s32 @!p0 $0xFFFFF086;
	s6 =	sadd.s32 @!p0 s3, s7;
	s7 =	simm.s32 @!p0 $0x108  }
0x21: {  	s3 =	sadd.s32 s3, s9;
	s6 =	sadd.s32 @!p0 $0x88, s6;
	s7 =	simm.s32 @p2 $0x1082  }
0x22: {  	[simem:s7], [sflag:s8] =	dma.local @!p0 [hbm:s6], $0xF7A  }
0x23: {  	s9 =	sor.u32 $0xD0000000, s2;
	s6 =	simm.s32 $0x108;
	_ =	swait.ge @!p0 [sflag:s8], $0x0  }
0x24: {  	s3 =	sadd.s32 $0x88, s3;
	s6 =	simm.s32 @!p1 $0x1082;
	[sflag:s4] =	ssyncset.s32 $0xFFFFF086  }
0x25: {  	[simem:s6], [sflag:s4] =	dma.local [hbm:s3], $0xF7A  }
0x26: {  	[smem:$0x3FA0] =	sst s1;
	(tag) =	ssettag s2;
	_ =	strace s9  }
0x27: {  	s1 =	sld [smem:$0x3FB0]  }
0x28: {  	s2 =	sld [smem:$0x3FB1]  }
0x29: {  	s4 =	sld [smem:$0x3FB3]  }
0x2a: {  	p0 =	seq.s32 s5, $0x0;
	s5 =	sld [smem:$0x3FB4]  }
0x2b: {  	s6 =	sld [smem:$0x3FB5]  }
0x2c: {  	s7 =	sld [smem:$0x3FB6]  }
0x2d: {  	s3 =	simm.s32 $0x108;
	s8 =	sld [smem:$0x3FB7]  }
0x2e: {  	s3 =	simm.s32 @!p0 $0x1082;
	s9 =	sld [smem:$0x3FB8]  }
0x2f: {  	lr =	sadd.s32 s0, s3;
	s0 =	sld [smem:$0x3FAF]  }
0x30: {  	s3 =	sld [smem:$0x3FB2]  }
0x31: {  	[smem:$0x3FBB] =	sst s10  }
0x32: {  	s10 =	sld [smem:$0x3FB9];
	_ =	sdelay $0x3  }
0x33: {  	p0 =	seq.s32 s10, $0x1;
	s10 =	sld [smem:$0x3FBB];
	_ =	sdelay $0x3  }
0x34: {  	[smem:$0x3FBB] =	sst s10  }
0x35: {  	s10 =	sld [smem:$0x3FBA];
	_ =	sdelay $0x3  }
0x36: {  	p1 =	seq.s32 s10, $0x1;
	s10 =	sld [smem:$0x3FBB];
	_ =	sdelay $0x3  }
0x37: {  	[smem:$0x3FBB] =	sst s10  }
0x38: {  	s10 =	sld [smem:$0x3FBC]  }
0x39: {  	_ = 	snop;
	(pc) =	sbr.ind lr, $3  }
0x3a: {  	_ = 	snop  }
0x3b: {  	_ = 	snop  }
0x3c: {  	p2 =	seq.s32 s10, $0x1;
	s10 =	sld [smem:$0x3FBB]  }
0x3d: {  	_ =	shalt  }
0x3e: {  	_ =	shalt  }
0x3f: {  	_ =	shalt  }
0x40: {  	_ =	shalt  }
0x41: {  	_ =	shalt  }
0x42: {  	_ =	shalt  }
0x43: {  	_ =	shalt  }
0x44: {  	_ =	shalt  }
0x45: {  	_ =	shalt  }
0x46: {  	_ =	shalt  }
0x47: {  	_ =	shalt  }
0x48: {  	_ =	shalt  }
0x49: {  	_ =	shalt  }
0x4a: {  	_ =	shalt  }
0x4b: {  	_ =	shalt  }
0x4c: {  	_ =	shalt  }
0x4d: {  	_ =	shalt  }
0x4e: {  	_ =	shalt  }
0x4f: {  	_ =	shalt  }
0x50: {  	_ =	shalt  }
0x51: {  	_ =	shalt  }
0x52: {  	_ =	shalt  }
0x53: {  	_ =	shalt  }
0x54: {  	_ =	shalt  }
0x55: {  	_ =	shalt  }
0x56: {  	_ =	shalt  }
0x57: {  	_ =	shalt  }
0x58: {  	_ =	shalt  }
0x59: {  	_ =	shalt  }
0x5a: {  	_ =	shalt  }
0x5b: {  	_ =	shalt  }
0x5c: {  	_ =	shalt  }
0x5d: {  	_ =	shalt  }
0x5e: {  	_ =	shalt  }
0x5f: {  	_ =	shalt  }
0x60: {  	_ =	shalt  }
0x61: {  	_ =	shalt  }
0x62: {  	_ =	shalt  }
0x63: {  	_ =	shalt  }
0x64: {  	_ =	shalt  }
0x65: {  	_ =	shalt  }
0x66: {  	_ =	shalt  }
0x67: {  	_ =	shalt  }
0x68: {  	_ =	shalt  }
0x69: {  	_ =	shalt  }
0x6a: {  	_ =	shalt  }
0x6b: {  	_ =	shalt  }
0x6c: {  	_ =	shalt  }
0x6d: {  	_ =	shalt  }
0x6e: {  	_ =	shalt  }
0x6f: {  	_ =	shalt  }
0x70: {  	_ =	shalt  }
0x71: {  	_ =	shalt  }
0x72: {  	_ =	shalt  }
0x73: {  	_ =	shalt  }
0x74: {  	_ =	shalt  }
0x75: {  	_ =	shalt  }
0x76: {  	_ =	shalt  }
0x77: {  	_ =	shalt  }
0x78: {  	_ =	shalt  }
0x79: {  	_ =	shalt  }
0x7a: {  	_ =	shalt  }
0x7b: {  	_ =	shalt  }
0x7c: {  	_ =	shalt  }
0x7d: {  	_ =	shalt  }
0x7e: {  	_ =	shalt  }
0x7f: {  	_ =	shalt  }
0x80: {  	_ =	shalt  }
0x81: {  	_ =	shalt  }
0x82: {  	_ =	shalt  }
0x83: {  	_ =	shalt  }
0x84: {  	_ =	shalt  }
0x85: {  	_ =	shalt  }
0x86: {  	_ =	shalt  }
0x87: {  	_ =	shalt  }
.Lfunc_end0:
.L_simem_size_0:
called_computation_lowered:
.L_overlay_start_0:
0x88: {  	s2 =	sld [smem:$0x3FD9]  }
0x89: {  	s3 =	sld [smem:$0x3FFE];
	_ =	sdelay $0x1  }
0x8a: {  	s1 =	srdreg.scid  }
0x8b: {  	s0 =	sand.u32 $0x1, s1  }
0x8c: {  	s16 =	sshll.u32 s0, $0xA;
	s2 =	sadd.s32 s3, s2  }
0x8d: {  	s2 =	sadd.s32 s2, s16  }
0x8e: {  	[smem:$0x3FC7] =	sst s2  }
0x8f: {  	_ = 	snop  }
0x90: {  	(tm) =	ssettm $0x1  }
0x91: {  	s17 =	sld [smem:$0x3FFB];
	_ =	sdelay $0x3  }
0x92: {  	_ =	strace s17  }
0x93: {  	s2 =	sld [smem:$0x3FFC];
	_ =	sdelay $0x3  }
0x94: {  	_ =	strace s2  }
0x95: {  	s2 =	sld [smem:$0x3FFD];
	_ =	sdelay $0x3  }
0x96: {  	_ =	strace s2  }
0x97: {  	_ =	strace $0x8FFFFFFF  }
0x98: {  	s18 =	sld [smem:$0x3FDB];
	_ =	sdelay $0x1  }
0x99: {  	s19 =	simm.s32 $_scs_section_size  }
0x9a: {  	s4 =	simm.s32 $_size__tile_overlayer_lowered;
	s5 =	simm.s32 $_tile_overlayer_lowered  }
0x9b: {  	s22 =	simm.s32 $0x1BFF;
	s21 =	sshll.u32 s5, $0x1;
	s2 =	sadd.s32 s19, s18  }
0x9c: {  	s6 =	simm.s32 $0x0;
	s20 =	sshll.u32 s4, $0x1;
	s4 =	sadd.s32 s21, s2  }
0x9d: {  	[timem:s6], [sflag:s22] =	dma.local [hbm:s4], s20  }
0x9e: {  	_ =	swait.ge [sflag:s22], s20  }
0x9f: {  	s3 =	ssub.s32 $0x0, s20;
	[sflag:s22] =	ssyncset.done $0x0  }
0xa0: {  	[sflag:s22] =	ssyncadd.s32 s3;
	_ =	sdelay $0x1  }
0xa1: {  	s23 =	simm.s32 $0x1B8B  }
0xa2: {  	_ =	swait.ge [sflag:s23], $0x1  }
0xa3: {  	[sflag:s23] =	ssyncset.done $0x0  }
0xa4: {  	s25 =	simm.s32 $0x1B8E;
	s24 =	sld [smem:$0x3FFE];
	[sflag:s23] =	ssyncadd.s32 $0xFFFFFFFF  }
0xa5: {  	s26 =	simm.s32 $execute0_lowered;
	[smem:$0x3FD2] =	sst s25  }
0xa6: {  	s4 =	sshll.u32 s26, $0x1;
	_ =	strace $0x80000046;
	[dreg:$0x1] =	wrdreg $0xFFFFFFFF  }
0xa7: {  	s28 =	simm.s32 $_size_execute0_lowered;
	s2 =	sadd.s32 s2, s4;
	[dreg:$0x0] =	wrdreg $0x0  }
0xa8: {  	s4 =	sshll.u32 s28, $0x1;
	[dreg:$0x2] =	wrdreg s2  }
0xa9: {  	[dreg:$0x3] =	wrdreg s4  }
0xaa: {  	[dreg:$0x4] =	wrdreg $0xC0  }
0xab: {  	_ =	task [dreg:s6], $0x5FFFF  }
0xac: {  	[dreg:$0x1] =	wrdreg $0xFFFFFFFF  }
0xad: {  	[dreg:$0x0] =	wrdreg $0x60  }
0xae: {  	[dreg:$0x2] =	wrdreg s24  }
0xaf: {  	[dreg:$0x3] =	wrdreg $0x9  }
0xb0: {  	_ =	task.clear_ibuf [dreg:s6], $0x4FFFF;
	_ =	strace $0x90000046  }
0xb1: {  	s29 =	simm.s32 $0x9;
	_ =	strace $0x80000048  }
0xb2: {  	_ =	swait.ge [sflag:s29], $0x1  }
0xb3: {  	[sflag:s29] =	ssyncadd.s32 $0xFFFFFFFF  }
0xb4: {  	_ =	strace $0x90000048  }
0xb5: {  	_ =	sfence  }
0xb6: {  	s30 =	sld [smem:$0x0];
	_ =	sdelay $0x2  }
0xb7: {  	s31 =	sshll.u32 s1, $0xD;
	s1 =	sshrl.u32 s1, $0x2  }
0xb8: {  	s3 =	sand.u32 $0x4000, s31;
	s1 =	sadd.s32 s1, s30  }
0xb9: {  	s0 =	sor.u32 s3, s0;
	s1 =	sshll.u32 s1, $0x11  }
0xba: {  	s0 =	sor.u32 s1, s0  }
0xbb: {  	s0 =	sadd.s32 $0x8F2B, s0  }
0xbc: {  	[sflag:s0] =	ssyncadd.remote.s32 $0x1  }
0xbd: {  	_ =	sfence.sel $0xFFFF  }
0xbe: {  	[dreg:$0x0] =	wrdreg $0xFFFFFFFF;
	(pc) =	sbr.abs _section_cstart, $3  }
0xbf: {  	[dreg:$0x1] =	wrdreg $0xFFFFFFFF  }
0xc0: {  	_ =	task.clear_ibuf [dreg:s6], $0x2FFFF;
	_ =	strace $0x9FFFFFFF  }
0xc1: {  	(tm) =	ssettm $0x7FFFFFFF  }
tec
execute0_lowered:
.L_overlay_start_1:
0x0: {  	(tag) =	ssettag $0x1  }
0x1: {  	s3 =	rddreg [dreg:$0x0];
	s1 =	simm.s32 $0x0  }
0x2: {  	[smem:$0x7FF] =	sst s1  }
0x3: {  	s0 =	rddreg [dreg:$0x1];
	s4 =	srdreg.scid;
	v0 =	vimm.f32 $6.000000000e+00;
	_ =	strace $0x80000047  }
0x4: {  	s2 =	stileid.u32;
	s13 =	simm.s32 $0x2800;
	s14 =	simm.s32 $0x1;
	(erf) = vrcp.f32 v0  }
0x5: {  	s15 =	simm.s32 $0x2900;
	s16 =	simm.s32 $0x2A00;
	s17 =	simm.s32 $0x2B00  }
0x6: {  	s18 =	sand.u32 $0x1, s4;
	s30 =	sshll.u32 s2, $0x4;
	s5 =	sshll.u32 s2, $0xB  }
0x7: {  	s8 =	sadd.s32 s30, s3;
	s10 =	sadd.s32 s5, s3;
	s3 =	smul.u32 $0x30, s18  }
0x8: {  	s4 =	simm.s32 $0x2F;
	s6 =	ssub.s32 $0x2, s18;
	s12 =	smul.u32 $0x6000, s18  }
.Ltmp0:
0x9: {  	p0 =	seq.s32 s18, $0x0;
	s31 =	sshrl.u32 s6, $0x1;
	(pc) =	sbr.rel .LBB2_1-.Ltmp0, $4  }
0xa: {  	s4 =	simm.s32 @!p0 $0x7F;
	s5 =	sadd.s32 $0xC00, s8;
	s7 =	sadd.s32 $0xE00, s8  }
0xb: {  	s9 =	sadd.s32 $0x1300, s10;
	s10 =	sadd.s32 $0x1000, s10;
	p0 =	sne.s32 s18, $0x0  }
0xc: {  	v0 =	vlaneseq.u32;
	s11 =	ssub.s32 s6, s31;
	s6 =	sadd.s32 $0xD00, s8;
	s12 =	ssub.s32 $0x40, s12  }
0xd: {  	v2 =	vimm.f32 $0.0e+00;
	s8 =	sadd.s32 $0xF00, s8;
	v3 =	vor.u32 $0x10, v0;
	s11 =	smax.u32 s11, $0x1;
	s12 =	sshra.s32 s12, $0x2;
	v1 =	vpop (erf)  }
.LBB2_16:
0xe: {  	s18 =	simm.s32 @p0 $0x0  }
0xf: {  	[hbm4b:s9+s18] =	stream.linear.scatter @p0 [tilespmem:s18], [sflag:$0x1], $0x2800, $0x38;
	[tilespmem:$0x2C00] =	vst v63  }
0x10: {  	s18 =	simm.s32 @p0 $0x1  }
0x11: {  	_ =	swait.ge @p0 [sflag:s18], $0x2800  }
0x12: {  	s1 =	sadd.s32 $0x1, s1;
	[sflag:s18] =	ssyncset.done @p0 $0x0  }
0x13: {  	p1 =	sne.s32 s1, s11;
	[sflag:s18] =	ssyncadd.s32 @p0 $0xFFFFD800;
	s18 =	simm.s32 @!p0 $0x0  }
0x14: {  	[hbm4b:s10+s18] =	stream.linear.scatter @!p0 [tilespmem:s18], [sflag:$0x1], $0x1800, $0x38;
	[tilespmem:$0x2C00] =	vst v63  }
.Ltmp1:
0x15: {  	_ = 	snop;
	(pc) =	sbr.rel @!p1 .LBB2_17-.Ltmp1, $4  }
0x16: {  	s18 =	simm.s32 @!p0 $0x1  }
0x17: {  	_ =	swait.ge @!p0 [sflag:s18], $0x1800  }
0x18: {  	[sflag:s18] =	ssyncset.done @!p0 $0x0  }
0x19: {  	[sflag:s18] =	ssyncadd.s32 @!p0 $0xFFFFE800  }
.LBB2_1:
0x1a: {  	s18 =	simm.s32 $0x0;
	s19 =	simm.s32 $0x200  }
.LBB2_2:
0x1b: {  	p1 =	sne.s32 s19, $0x9E00;
	[tilespmem:s18+$0x70] =	vst v2  }
0x1c: {  	[tilespmem:s18+$0x0] =	vst v2  }
0x1d: {  	[tilespmem:s18+$0x10] =	vst v2  }
.Ltmp2:
0x1e: {  	[tilespmem:s18+$0x20] =	vst v2;
	(pc) =	sbr.rel @p1 .LBB2_2-.Ltmp2, $4  }
0x1f: {  	[tilespmem:s18+$0x30] =	vst v2  }
0x20: {  	[tilespmem:s18+$0x40] =	vst v2  }
0x21: {  	[tilespmem:s18+$0x50] =	vst v2  }
0x22: {  	[tilespmem:s18+$0x60] =	vst v2;
	s18 =	sshra.s32 s19, $0x2;
	s19 =	sadd.s32 $0x200, s19  }
0x23: {  	[tilespmem:s18+$0x70] =	vst v2  }
0x24: {  	[tilespmem:s18+$0x0] =	vst v2  }
0x25: {  	[tilespmem:s18+$0x10] =	vst v2  }
0x26: {  	[tilespmem:s18+$0x20] =	vst v2  }
0x27: {  	[tilespmem:s18+$0x30] =	vst v2  }
0x28: {  	[tilespmem:s18+$0x40] =	vst v2  }
0x29: {  	[tilespmem:s18+$0x50] =	vst v2  }
0x2a: {  	[tilespmem:s18+$0x60] =	vst v2;
	s18 =	simm.s32 $0x0  }
0x2b: {  	[tilespmem:s13], [sflag:$0x1] =	stream.linear.gather [hbm4b:s5+s18], $0x80, $0x38;
	[tilespmem:$0x2C00] =	vst v63  }
0x2c: {  	_ =	swait.ge [sflag:s14], $0x80  }
0x2d: {  	[sflag:s14] =	ssyncset.done $0x0  }
0x2e: {  	[sflag:s14] =	ssyncadd.s32 $0xFFFFFF80  }
0x2f: {  	[tilespmem:s15], [sflag:$0x1] =	stream.linear.gather [hbm4b:s6+s18], $0x80, $0x38;
	[tilespmem:$0x2C00] =	vst v63  }
0x30: {  	_ =	swait.ge [sflag:s14], $0x80  }
0x31: {  	[sflag:s14] =	ssyncset.done $0x0  }
0x32: {  	[sflag:s14] =	ssyncadd.s32 $0xFFFFFF80  }
0x33: {  	[tilespmem:s16], [sflag:$0x1] =	stream.linear.gather [hbm4b:s7+s18], $0x80, $0x38;
	[tilespmem:$0x2C00] =	vst v63  }
0x34: {  	_ =	swait.ge [sflag:s14], $0x80  }
0x35: {  	[sflag:s14] =	ssyncset.done $0x0  }
.Ltmp3:
0x36: {  	[sflag:s14] =	ssyncadd.s32 $0xFFFFFF80;
	(pc) =	sbr.rel .LBB2_4-.Ltmp3, $4  }
0x37: {  	[tilespmem:s17], [sflag:$0x1] =	stream.linear.gather [hbm4b:s8+s18], $0x80, $0x38;
	[tilespmem:$0x2C00] =	vst v63  }
0x38: {  	_ =	swait.ge [sflag:s14], $0x80  }
0x39: {  	[sflag:s14] =	ssyncset.done $0x0  }
0x3a: {  	[sflag:s14] =	ssyncadd.s32 $0xFFFFFF80  }
.LBB2_6:
0x3b: {  	s22 =	smov.u32 s19  }
.LBB2_14:
0x3c: {  	v10 =	vld @p2 [tilespmem:s22+$0x0];
	[tilespmem:s24+$0xFFFFFFF0] =	vst @p3 v9  }
0x3d: {  	(erf) = vpow2.f32 @p1 v8;
	v8 =	vld @p2 [tilespmem:s22+$0xFFFFFFF0];
	_ =	sdelay $0x1  }
0x3e: {  	v9 =	vpop @p2 (erf);
	v7 =	vbroadcast v7, $0x0  }
0x3f: {  	v11 =	vmul.f32 @p2 v9, v6;
	v9 =	vmul.f32 @p2 v9, v4  }
0x40: {  	v5 =	vmul.f32 v7, v5  }
0x41: {  	s20 =	smov.u32 @p2 s22;
	s21 =	sadd.s32 @p2 $0x80, s22;
	s22 =	smov.u32 s19;
	v7 =	vmax.f32 @p2 v10, v11;
	v8 =	vmax.f32 @p2 v8, v9  }
0x42: {  	s22 =	smov.u32 @p2 s21;
	v5 =	vmul.f32 $1.442695020e+00, v5;
	[tilespmem:s20+$0x0] =	vst @p2 v7;
	s20 =	smov.u32 @p2 s20;
	v7 =	vpsel p2, v8, v0  }
0x43: {  	v8 =	vld @p1 [tilespmem:s22+$0x0];
	[tilespmem:s20+$0xFFFFFFF0] =	vst @p2 v7  }
0x44: {  	(erf) = vpow2.f32 v5;
	v5 =	vld @p1 [tilespmem:s22+$0xFFFFFFF0];
	_ =	sdelay $0x1  }
0x45: {  	v7 =	vpop @p1 (erf)  }
0x46: {  	v9 =	vmul.f32 @p1 v7, v6;
	v7 =	vmul.f32 @p1 v7, v4;
	_ =	sdelay $0x1  }
0x47: {  	s21 =	sadd.s32 @p1 $0x80, s22;
	s20 =	smov.u32 @p1 s22;
	v8 =	vmax.f32 @p1 v8, v9;
	v5 =	vmax.f32 @p1 v5, v7  }
0x48: {  	s19 =	smov.u32 @p1 s21;
	[tilespmem:s20+$0x0] =	vst @p1 v8;
	s20 =	smov.u32 @p1 s20;
	v5 =	vpsel p1, v5, v0  }
0x49: {  	v61 =	vld [tilespmem:s19+$0x0];
	[tilespmem:s20+$0xFFFFFFF0] =	vst @p1 v5  }
0x4a: {  	v5 =	vld [tilespmem:s19+$0xFFFFFFF0]  }
0x4b: {  	v62 =	vpop (erf)  }
0x4c: {  	v63 =	vmul.f32 v62, v6  }
0x4d: {  	v4 =	vmul.f32 v62, v4  }
0x4e: {  	v6 =	vmax.f32 v61, v63  }
0x4f: {  	[tilespmem:s19+$0x0] =	vst v6;
	v4 =	vmax.f32 v5, v4  }
0x50: {  	[tilespmem:s19+$0xFFFFFFF0] =	vst v4  }
.LBB2_15:
0x51: {  	s18 =	sadd.s32 $0x1, s18  }
0x52: {  	p1 =	sne.s32 s18, $0x80  }
.Ltmp4:
0x53: {  	_ = 	snop;
	(pc) =	sbr.rel @!p1 .LBB2_16-.Ltmp4, $1  }
0x54: {  	_ =	sdelay $0x3  }
.LBB2_4:
0x55: {  	v5 =	vld [tilespmem:s18+$0x2900]  }
0x56: {  	v4 =	vld [tilespmem:s18+$0x2A00];
	_ =	sdelay $0x1  }
0x57: {  	v6 =	vld [tilespmem:s18+$0x2B00];
	_ =	sdelay $0x1  }
0x58: {  	(v2sf) =	vpush v5, $0x0  }
0x59: {  	(v2sf) =	vpush v4, $0x0;
	_ =	sdelay $0x1  }
0x5a: {  	(v2sf) =	vpush v6, $0x0;
	_ =	sdelay $0xb  }
0x5b: {  	s19 =	spop (v2sf)  }
0x5c: {  	s22 =	smov.u32 s3;
	s21 =	spop (v2sf)  }
0x5d: {  	s20 =	smov.u32 s4;
	s23 =	ssub.s32 s19, s21;
	s24 =	sadd.s32 s19, s21  }
0x5e: {  	s25 =	spop (v2sf);
	p1 =	sgt.s32 s23, s3;
	p2 =	slt.s32 s24, s4  }
0x5f: {  	s22 =	smov.u32 @p1 s23;
	s20 =	smov.u32 @p2 s24;
	p1 =	sne.s32 s25, $0x1  }
0x60: {  	p2 =	sgt.s32 @!p1 s22, s20  }
0x61: {  	p1 =	por p1, p2  }
.Ltmp5:
0x62: {  	_ = 	snop;
	(pc) =	sbr.rel @p1 .LBB2_15-.Ltmp5, $1  }
0x63: {  	_ =	sdelay $0x3  }
0x64: {  	v5 =	vld [tilespmem:s18+$0x2800];
	_ =	sdelay $0x4  }
0x65: {  	(v2sf) =	vpush v5, $0x0;
	_ =	sdelay $0x2  }
0x66: {  	v4 =	vbroadcast v4, $0x0;
	_ =	sdelay $0x1  }
0x67: {  	v5 =	vcvt.s32.f32 v4;
	_ =	sdelay $0x1  }
0x68: {  	v5 =	vadd.f32 v5, v5;
	_ =	sdelay $0x1  }
0x69: {  	v5 =	vadd.f32 $1.000000000e+00, v5;
	_ =	sdelay $0x1  }
0x6a: {  	v5 =	vmul.f32 v5, v1;
	_ =	sdelay $0x1  }
0x6b: {  	v6 =	vadd.f32 v5, v5;
	_ =	sdelay $0x1  }
0x6c: {  	v5 =	vmul.f32 v6, v5;
	s23 =	spop (v2sf)  }
0x6d: {  	s21 =	ssub.s32 s23, s21  }
0x6e: {  	v5 =	vadd.f32 $9.999999960e-13, v5;
	p1 =	sgt.s32 s21, $0x0  }
0x6f: {  	s21 =	simm.s32 @!p1 $0x0  }
0x70: {  	(erf) = vrcp.f32 v5;
	s24 =	smin.u32 s21, $0x60  }
0x71: {  	s21 =	ssub.s32 s24, s23  }
0x72: {  	v6 =	vadd.s32 s21, v0  }
0x73: {  	v5 =	vmul.u32 v6, v6  }
0x74: {  	v7 =	vadd.s32 s21, v3  }
0x75: {  	v8 =	vmul.u32 v7, v7;
	v5 =	vcvt.s32.f32 v5;
	_ =	sdelay $0x1  }
0x76: {  	v8 =	vcvt.s32.f32 v8  }
0x77: {  	v9 =	vsub.f32 $0.0e+00, v5  }
0x78: {  	v8 =	vsub.f32 $0.0e+00, v8;
	v5 =	vpop (erf)  }
0x79: {  	v9 =	vmul.f32 v9, v5  }
0x7a: {  	v8 =	vmul.f32 v8, v5  }
0x7b: {  	v9 =	vmul.f32 $1.442695020e+00, v9  }
0x7c: {  	v8 =	vmul.f32 $1.442695020e+00, v8  }
0x7d: {  	(erf) = vpow2.f32 v9  }
0x7e: {  	(erf) = vpow2.f32 v8;
	_ =	sdelay $0x1  }
0x7f: {  	s29 =	sadd.s32 $0xFFFFFFFF, s22  }
0x80: {  	s23 =	sadd.s32 $0x1, s29;
	s21 =	ssub.s32 $0x0, s19  }
0x81: {  	s19 =	sadd.s32 s21, s23  }
0x82: {  	p4 =	slt.s32 s23, s20;
	s19 =	smul.u32 s19, s19;
	v8 =	vsub.s32 $0x0, v6  }
.Ltmp6:
0x83: {  	v6 =	vmin.u32 v6, v8;
	(pc) =	sbr.rel @!p4 .LBB2_6-.Ltmp6, $4  }
0x84: {  	s30 =	sshll.u32 s22, $0x9;
	s24 =	sshll.u32 s24, $0x2;
	v63 =	vsub.s32 $0x0, v7  }
0x85: {  	s22 =	sor.u32 s24, s30;
	v7 =	vmin.u32 v7, v63;
	s31 =	ssub.s32 $0x0, s19;
	v10 =	vpop (erf)  }
0x86: {  	p2 =	por $0x0, $0x0;
	s22 =	sshra.s32 s22, $0x2;
	vm1 =	vgt.s32 v7, v4;
	v7 =	vmov s31;
	vm0 =	vgt.s32 v6, v4;
	v6 =	vpop (erf)  }
0x87: {  	p3 =	por $0x0, $0x0;
	p1 =	por $0x0, $0x0;
	s19 =	sadd.s32 s22, s12;
	v7 =	vcvt.s32.f32 v7;
	v4 =	vsel vm0, $0x0, v10;
	v6 =	vsel vm1, $0x0, v6  }
0x88: {  	s22 =	sadd.s32 $0x1, s23  }
0x89: {  	s23 =	sadd.s32 s21, s22  }
0x8a: {  	p4 =	slt.s32 s22, s20;
	s23 =	smul.u32 s23, s23  }
.Ltmp7:
0x8b: {  	v7 =	vbroadcast v7, $0x0;
	(pc) =	sbr.rel @!p4 .LBB2_8-.Ltmp7, $4  }
0x8c: {  	_ = 	snop  }
0x8d: {  	v7 =	vmul.f32 v7, v5;
	s23 =	ssub.s32 $0x0, s23  }
0x8e: {  	v9 =	vmov s23  }
0x8f: {  	p1 =	por $0x1, $0x1;
	v8 =	vmul.f32 $1.442695020e+00, v7;
	v7 =	vcvt.s32.f32 v9  }
0x90: {  	s22 =	sadd.s32 $0x1, s22  }
0x91: {  	s23 =	sadd.s32 s21, s22  }
0x92: {  	(erf) = vpow2.f32 v8;
	p4 =	slt.s32 s22, s20;
	s23 =	smul.u32 s23, s23  }
.Ltmp8:
0x93: {  	v7 =	vbroadcast v7, $0x0;
	(pc) =	sbr.rel @!p4 .LBB2_10-.Ltmp8, $4  }
0x94: {  	_ = 	snop  }
0x95: {  	v7 =	vmul.f32 v7, v5;
	s23 =	ssub.s32 $0x0, s23  }
0x96: {  	v9 =	vmov s23  }
0x97: {  	p2 =	por $0x1, $0x1;
	v8 =	vmul.f32 $1.442695020e+00, v7;
	v7 =	vcvt.s32.f32 v9  }
0x98: {  	_ = 	snop  }
0x99: {  	s23 =	sadd.s32 $0x1, s22  }
0x9a: {  	v9 =	vld [tilespmem:s19+$0x0];
	s22 =	sadd.s32 s21, s23  }
0x9b: {  	v10 =	vld [tilespmem:s19+$0xFFFFFFF0];
	p4 =	slt.s32 s23, s20;
	s22 =	smul.u32 s22, s22;
	v11 =	vpop (erf);
	(erf) = vpow2.f32 v8  }
.Ltmp9:
0x9c: {  	v7 =	vbroadcast v7, $0x0;
	(pc) =	sbr.rel @!p4 .LBB2_12-.Ltmp9, $4  }
0x9d: {  	v12 =	vmul.f32 v11, v6  }
0x9e: {  	v7 =	vmul.f32 v7, v5;
	s22 =	ssub.s32 $0x0, s22;
	v11 =	vmul.f32 v11, v4  }
0x9f: {  	v13 =	vmov s22;
	v12 =	vmax.f32 v9, v12  }
0xa0: {  	p3 =	por $0x1, $0x1;
	s24 =	smov.u32 s19;
	v8 =	vmul.f32 $1.442695020e+00, v7;
	s22 =	sadd.s32 $0x80, s19;
	v7 =	vcvt.s32.f32 v13;
	v9 =	vmax.f32 v10, v11;
	[tilespmem:s19+$0x0] =	vst v12  }
.LBB2_13:
0xa1: {  	s23 =	sadd.s32 $0x1, s23  }
0xa2: {  	(erf) = vpow2.f32 v8;
	v10 =	vld [tilespmem:s22+$0x0];
	[tilespmem:s24+$0xFFFFFFF0] =	vst v9;
	s24 =	smov.u32 s22;
	s25 =	sadd.s32 s21, s23  }
0xa3: {  	v7 =	vbroadcast v7, $0x0;
	p4 =	slt.s32 s23, s20;
	v9 =	vld [tilespmem:s22+$0xFFFFFFF0];
	s25 =	smul.u32 s25, s25  }
.Ltmp10:
0xa4: {  	v8 =	vpop (erf);
	(pc) =	sbr.rel @p4 .LBB2_13-.Ltmp10, $4  }
0xa5: {  	v7 =	vmul.f32 v7, v5;
	v11 =	vmul.f32 v8, v6  }
0xa6: {  	v12 =	vmul.f32 v8, v4;
	s25 =	ssub.s32 $0x0, s25  }
0xa7: {  	v8 =	vmul.f32 $1.442695020e+00, v7;
	v13 =	vmov s25;
	v10 =	vmax.f32 v10, v11  }
0xa8: {  	s22 =	sadd.s32 $0x80, s22;
	v7 =	vcvt.s32.f32 v13;
	v9 =	vmax.f32 v9, v12;
	[tilespmem:s24+$0x0] =	vst v10  }
.Ltmp11:
0xa9: {  	_ = 	snop;
	(pc) =	sbr.rel .LBB2_14-.Ltmp11, $1  }
0xaa: {  	_ =	sdelay $0x3  }
.LBB2_8:
.Ltmp12:
0xab: {  	(pc) =	sbr.rel .LBB2_14-.Ltmp12, $2  }
0xac: {  	_ =	sdelay $0x2  }
0xad: {  	s22 =	smov.u32 s19  }
.LBB2_10:
.Ltmp13:
0xae: {  	(pc) =	sbr.rel .LBB2_14-.Ltmp13, $2  }
0xaf: {  	_ =	sdelay $0x2  }
0xb0: {  	s22 =	smov.u32 s19  }
.LBB2_12:
.Ltmp14:
0xb1: {  	(pc) =	sbr.rel .LBB2_14-.Ltmp14, $2  }
0xb2: {  	_ =	sdelay $0x2  }
0xb3: {  	s24 =	smov.u32 s19  }
.LBB2_17:
0xb4: {  	_ =	sfence.sel $0x180000  }
0xb5: {  	[bflag:$0x0] =	sbarrier.arrive $0xFFFF  }
0xb6: {  	p0 =	sne.s32 s2, $0x0;
	_ =	strace $0x90000047  }
0xb7: {  	s0 =	sadd.s32 @!p0 $0x100000, s0;
	[bflag:$0x2] =	sbarrier.arrive $0xFFFF  }
0xb8: {  	[sflag:s0] =	ssyncadd.tile.s32 @!p0 $0x1;
	_ =	shalt  }
.Lfunc_end2:
_tile_overlayer_lowered:
.L_overlay_start_2:
0xb9: {  	(tag) =	ssettag $0x2  }
0xba: {  	s0 =	rddreg [dreg:$0x0];
	s2 =	stileid.u32  }
0xbb: {  	s1 =	rddreg [dreg:$0x1];
	p0 =	sne.s32 s2, $0x0  }
0xbc: {  	s3 =	rddreg [dreg:$0x2];
	[bflag:$0x3] =	sbarrier.arrive $0xFFFF;
	s2 =	simm.s32 @!p0 $0x1C01  }
0xbd: {  	[timem:s3], [sflag:s2] =	dma.local @!p0 [hbm:s0], s1  }
0xbe: {  	s0 =	simm.s32 @!p0 $0x1  }
0xbf: {  	_ =	swait.ge @!p0 [sflag:s0], s1  }
0xc0: {  	s1 =	ssub.s32 @!p0 $0x0, s1;
	[sflag:s0] =	ssyncset.done @!p0 $0x0  }
0xc1: {  	[sflag:s0] =	ssyncadd.s32 @!p0 s1  }
0xc2: {  	[bflag:$0x3] =	sbarrier.arrive $0xFFFF  }
0xc3: {  	_ =	shalt  }

</sc_bundles>
